<compile_context>
chip_gen: v7x
topology: tpu7x:2x2x1
jax: 0.10.2.dev20260603
libtpu: 0.0.44.dev20260713+nightly
codegen_flags: <defaults>
</compile_context>

<pallas_src>
import functools

import jax
import jax.numpy as jnp
from jax import lax
from jax.experimental import pallas as pl
from jax.experimental.pallas import tpu as pltpu
from jax.experimental.pallas import tpu_sc as plsc

VOCAB = 100000
D = 300
B = 1024
L = 200
HID = 32
OUT = 2

NC = 2
NS = 16
NW = NC * NS
RPW = B // NW
G = 40
NCHUNK = L // G
DP = 304
NACC = DP // 16


def _sc_sums(x, table_pad):
  mesh = plsc.VectorSubcoreMesh(core_axis_name="c", subcore_axis_name="s")

  @functools.partial(
      pl.kernel,
      out_type=jax.ShapeDtypeStruct((B, DP), jnp.float32),
      mesh=mesh,
      compiler_params=pltpu.CompilerParams(
          use_tc_tiling_on_sc=False, needs_layout_passes=False),
      scratch_types=(
          [pltpu.VMEM((RPW, L), jnp.int32)]
          + [pltpu.VMEM((G, DP), jnp.float32) for _ in range(NCHUNK)]
          + [pltpu.VMEM((RPW, DP), jnp.float32)]
          + [pltpu.SemaphoreType.DMA for _ in range(NCHUNK)]
      ),
  )
  def k(x_hbm, tab_hbm, out_hbm, idx_v, *rest):
    bufs = rest[:NCHUNK]
    ostage = rest[NCHUNK]
    sems = rest[NCHUNK + 1:]
    wid = lax.axis_index("s") * NC + lax.axis_index("c")
    base = wid * RPW
    pltpu.sync_copy(x_hbm.at[pl.ds(base, RPW)], idx_v)

    for c in range(NCHUNK):
      pltpu.async_copy(tab_hbm.at[idx_v.at[0, pl.ds(c * G, G)]],
                       bufs[c], sems[c])

    @pl.loop(0, RPW)
    def _row(i):
      accs = tuple(jnp.zeros((16,), jnp.float32) for _ in range(NACC))
      for c in range(NCHUNK):
        pltpu.make_async_copy(tab_hbm.at[idx_v.at[i, pl.ds(c * G, G)]],
                              bufs[c], sems[c]).wait()

        def body(r, a, _buf=bufs[c]):
          return tuple(x + _buf[r, pl.ds(kk * 16, 16)]
                       for kk, x in enumerate(a))

        accs = lax.fori_loop(0, G, body, accs)

        @pl.when(i + 1 < RPW)
        def _():
          pltpu.async_copy(tab_hbm.at[idx_v.at[i + 1, pl.ds(c * G, G)]],
                           bufs[c], sems[c])

      for kk in range(NACC):
        ostage[i, pl.ds(kk * 16, 16)] = accs[kk]

    pltpu.sync_copy(ostage, out_hbm.at[pl.ds(base, RPW)])

  return k(x, table_pad)


PAD_ROWS = 4000


def _pad_body(t_ref, o_ref):
  o_ref[...] = jnp.concatenate(
      [t_ref[...], jnp.zeros((PAD_ROWS, DP - D), jnp.float32)], axis=1)


def _pad_table(emb_table):
  return pl.pallas_call(
      _pad_body,
      grid=(VOCAB // PAD_ROWS,),
      in_specs=[pl.BlockSpec((PAD_ROWS, D), lambda i: (i, 0))],
      out_specs=pl.BlockSpec((PAD_ROWS, DP), lambda i: (i, 0)),
      out_shape=jax.ShapeDtypeStruct((VOCAB, DP), jnp.float32),
  )(emb_table)


def _mlp_body(s_ref, w1_ref, b1_ref, w2_ref, b2_ref, o_ref):
  h = jnp.dot(s_ref[...], w1_ref[...], preferred_element_type=jnp.float32)
  h = jnp.maximum(h + b1_ref[...], 0.0)
  logits = jnp.dot(h, w2_ref[...], preferred_element_type=jnp.float32)
  logits = logits + b2_ref[...]
  m = jnp.max(logits, axis=0, keepdims=True)
  z = logits - m
  o_ref[...] = z - jnp.log(jnp.sum(jnp.exp(z), axis=0, keepdims=True))


def kernel(x, emb_table, V_w, V_b, W_w, W_b):
  x = x.astype(jnp.int32)
  table_pad = _pad_table(emb_table)
  sums = _sc_sums(x, table_pad)
  w1 = jnp.pad(V_w.T * (1.0 / L), ((0, DP - D), (0, 0)))
  b1 = V_b.reshape(1, HID)
  w2 = W_w.T
  b2 = W_b.reshape(1, OUT)
  return pl.pallas_call(
      _mlp_body,
      out_shape=jax.ShapeDtypeStruct((B, OUT), jnp.float32),
  )(sums, w1, b1, w2, b2)

# --- scband reference (transcript-rebuilt; emitter-appended) ---
"""Pipeline reference for scband-danclassifier-78451872629311 (READ-ONLY COPY).

The authoritative reference and input builder live on the scoring server;
editing this copy changes nothing except your own understanding.
"""

import jax, jax.numpy as jnp
import numpy as np

VOCAB = 100000
EMB_DIM = 300
B = 1024
L = 200
HID = 32
OUT = 2


def setup_inputs(seed: int = 0) -> dict:
    key = jax.random.key(seed)
    ks = jax.random.split(key, 6)
    x = jax.random.randint(ks[0], (B, L), 0, VOCAB, dtype=jnp.int64) if jax.config.read('jax_enable_x64') else jax.random.randint(ks[0], (B, L), 0, VOCAB)
    emb_table = jax.random.normal(ks[1], (VOCAB, EMB_DIM), dtype=jnp.float32)
    emb_table = emb_table.at[0].set(0.0)  # padding_idx=0
    V_w = jax.random.normal(ks[2], (HID, EMB_DIM), dtype=jnp.float32) * 0.05
    V_b = jnp.zeros((HID,), dtype=jnp.float32)
    W_w = jax.random.normal(ks[3], (OUT, HID), dtype=jnp.float32) * 0.05
    W_b = jnp.zeros((OUT,), dtype=jnp.float32)
    return {"x": x, "emb_table": emb_table, "V_w": V_w, "V_b": V_b, "W_w": W_w, "W_b": W_b}


def reference(x, emb_table, V_w, V_b, W_w, W_b):
    # DAN: embed each word, average over the sentence, then 2-layer MLP + log-softmax.
    emb = jnp.take(emb_table, x, axis=0)          # [B, L, 300] gather (embedding lookup)
    ave = jnp.mean(emb, axis=1)                   # [B, 300] deep-averaging
    h = jax.nn.relu(ave @ V_w.T + V_b)            # [B, 32]
    logits = h @ W_w.T + W_b                      # [B, 2]
    # Original module applies LogSoftmax(dim=0), i.e. across the batch dimension.
    return jax.nn.log_softmax(logits, axis=0)

if __name__ == "__main__":
    import jax
    _d = setup_inputs()
    print(jax.jit(kernel)(*tuple(_d.values())))

</pallas_src>

<mosaic_0001>
#map = affine_map<(d0, d1) -> (0, 0)>
module attributes {stable_mosaic.version = 14 : i64} {
  func.func @k(%arg0: i32, %arg1: i32, %arg2: memref<1024x200xi32, #tpu.memory_space<hbm>>, %arg3: memref<100000x304xf32, #tpu.memory_space<hbm>>, %arg4: memref<1024x304xf32, #tpu.memory_space<hbm>>, %arg5: memref<32x200xi32, #tpu.memory_space<vmem>>, %arg6: memref<40x304xf32, #tpu.memory_space<vmem>>, %arg7: memref<40x304xf32, #tpu.memory_space<vmem>>, %arg8: memref<40x304xf32, #tpu.memory_space<vmem>>, %arg9: memref<40x304xf32, #tpu.memory_space<vmem>>, %arg10: memref<40x304xf32, #tpu.memory_space<vmem>>, %arg11: memref<32x304xf32, #tpu.memory_space<vmem>>, %arg12: memref<!tpu.dma_semaphore, #tpu.memory_space<semaphore_mem>>, %arg13: memref<!tpu.dma_semaphore, #tpu.memory_space<semaphore_mem>>, %arg14: memref<!tpu.dma_semaphore, #tpu.memory_space<semaphore_mem>>, %arg15: memref<!tpu.dma_semaphore, #tpu.memory_space<semaphore_mem>>, %arg16: memref<!tpu.dma_semaphore, #tpu.memory_space<semaphore_mem>>) attributes {dimension_semantics = [#tpu.dimension_semantics<core_parallel>, #tpu.dimension_semantics<subcore_parallel>], iteration_bounds = array<i64: 2, 16>, scalar_prefetch = 0 : i64, scratch_operands = 12 : i64, tpu.core_type = #tpu.core_type<sc_vector_subcore>, window_params = [{transform_indices = #map}, {transform_indices = #map}, {transform_indices = #map}]} {
    %mul3A = arith.constant 2 : i32
    %mul3A_0 = arith.muli %arg1, %mul3A : i32
    %add3A = arith.addi %mul3A_0, %arg0 : i32
    %mul3A_1 = arith.constant 32 : i32
    %mul3A_2 = arith.muli %add3A, %mul3A_1 : i32
    "tpu.region"() ({
      %run_scoped3A = tpu.sem_alloc : memref<!tpu.dma_semaphore, #tpu.memory_space<semaphore_mem>>
      %dma_start3A_41 = arith.constant 0 : i32
      %dma_start3A_42 = tpu.memref_slice %arg2[%mul3A_2, %dma_start3A_41] : memref<1024x200xi32, #tpu.memory_space<hbm>> -> memref<32x200xi32, #tpu.memory_space<hbm>>
      %dma_start3A_43 = arith.constant 0 : i32
      %dma_start3A_44 = tpu.memref_slice %arg2[%mul3A_2, %dma_start3A_43] : memref<1024x200xi32, #tpu.memory_space<hbm>> -> memref<32x200xi32, #tpu.memory_space<hbm>>
      tpu.enqueue_dma source(%dma_start3A_44 : memref<32x200xi32, #tpu.memory_space<hbm>>) target(%arg5 : memref<32x200xi32, #tpu.memory_space<vmem>>) target_semaphore(%run_scoped3A : memref<!tpu.dma_semaphore, #tpu.memory_space<semaphore_mem>>)
      %dma_wait3A = arith.constant 0 : i32
      %dma_wait3A_45 = tpu.memref_slice %arg2[%mul3A_2, %dma_wait3A] : memref<1024x200xi32, #tpu.memory_space<hbm>> -> memref<32x200xi32, #tpu.memory_space<hbm>>
      %dma_wait3A_46 = arith.constant 0 : i32
      %dma_wait3A_47 = tpu.memref_slice %arg2[%mul3A_2, %dma_wait3A_46] : memref<1024x200xi32, #tpu.memory_space<hbm>> -> memref<32x200xi32, #tpu.memory_space<hbm>>
      tpu.wait_dma2 semaphore(%run_scoped3A : memref<!tpu.dma_semaphore, #tpu.memory_space<semaphore_mem>>) src(%dma_wait3A_47 : memref<32x200xi32, #tpu.memory_space<hbm>>) dst(%arg5 : memref<32x200xi32, #tpu.memory_space<vmem>>)
      tpu.yield
    }) : () -> ()
    %dma_start3A = arith.constant 0 : i32
    %dma_start3A_3 = arith.constant 0 : i32
    %dma_start3A_4 = tpu.memref_slice %arg5[%dma_start3A, %dma_start3A_3] : memref<32x200xi32, #tpu.memory_space<vmem>> -> memref<1x40xi32, #tpu.memory_space<vmem>>
    %dma_start3A_5 = tpu.memref_squeeze %dma_start3A_4 : memref<1x40xi32, #tpu.memory_space<vmem>> -> memref<40xi32, #tpu.memory_space<vmem>>
    %dma_start3A_6 = arith.constant 0 : i32
    %dma_start3A_7 = arith.constant 0 : i32
    %dma_start3A_8 = tpu.memref_slice %arg3[%dma_start3A_6, %dma_start3A_7] : memref<100000x304xf32, #tpu.memory_space<hbm>> -> memref<100000x304xf32, #tpu.memory_space<hbm>>
    tpu.enqueue_indirect_dma source(%dma_start3A_8 : memref<100000x304xf32, #tpu.memory_space<hbm>>) target(%arg6 : memref<40x304xf32, #tpu.memory_space<vmem>>) offsets(%dma_start3A_5 : memref<40xi32, #tpu.memory_space<vmem>>) semaphore(%arg12 : memref<!tpu.dma_semaphore, #tpu.memory_space<semaphore_mem>>)
    %dma_start3A_9 = arith.constant 0 : i32
    %dma_start3A_10 = arith.constant 40 : i32
    %dma_start3A_11 = tpu.memref_slice %arg5[%dma_start3A_9, %dma_start3A_10] : memref<32x200xi32, #tpu.memory_space<vmem>> -> memref<1x40xi32, #tpu.memory_space<vmem>>
    %dma_start3A_12 = tpu.memref_squeeze %dma_start3A_11 : memref<1x40xi32, #tpu.memory_space<vmem>> -> memref<40xi32, #tpu.memory_space<vmem>>
    %dma_start3A_13 = arith.constant 0 : i32
    %dma_start3A_14 = arith.constant 0 : i32
    %dma_start3A_15 = tpu.memref_slice %arg3[%dma_start3A_13, %dma_start3A_14] : memref<100000x304xf32, #tpu.memory_space<hbm>> -> memref<100000x304xf32, #tpu.memory_space<hbm>>
    tpu.enqueue_indirect_dma source(%dma_start3A_15 : memref<100000x304xf32, #tpu.memory_space<hbm>>) target(%arg7 : memref<40x304xf32, #tpu.memory_space<vmem>>) offsets(%dma_start3A_12 : memref<40xi32, #tpu.memory_space<vmem>>) semaphore(%arg13 : memref<!tpu.dma_semaphore, #tpu.memory_space<semaphore_mem>>)
    %dma_start3A_16 = arith.constant 0 : i32
    %dma_start3A_17 = arith.constant 80 : i32
    %dma_start3A_18 = tpu.memref_slice %arg5[%dma_start3A_16, %dma_start3A_17] : memref<32x200xi32, #tpu.memory_space<vmem>> -> memref<1x40xi32, #tpu.memory_space<vmem>>
    %dma_start3A_19 = tpu.memref_squeeze %dma_start3A_18 : memref<1x40xi32, #tpu.memory_space<vmem>> -> memref<40xi32, #tpu.memory_space<vmem>>
    %dma_start3A_20 = arith.constant 0 : i32
    %dma_start3A_21 = arith.constant 0 : i32
    %dma_start3A_22 = tpu.memref_slice %arg3[%dma_start3A_20, %dma_start3A_21] : memref<100000x304xf32, #tpu.memory_space<hbm>> -> memref<100000x304xf32, #tpu.memory_space<hbm>>
    tpu.enqueue_indirect_dma source(%dma_start3A_22 : memref<100000x304xf32, #tpu.memory_space<hbm>>) target(%arg8 : memref<40x304xf32, #tpu.memory_space<vmem>>) offsets(%dma_start3A_19 : memref<40xi32, #tpu.memory_space<vmem>>) semaphore(%arg14 : memref<!tpu.dma_semaphore, #tpu.memory_space<semaphore_mem>>)
    %dma_start3A_23 = arith.constant 0 : i32
    %dma_start3A_24 = arith.constant 120 : i32
    %dma_start3A_25 = tpu.memref_slice %arg5[%dma_start3A_23, %dma_start3A_24] : memref<32x200xi32, #tpu.memory_space<vmem>> -> memref<1x40xi32, #tpu.memory_space<vmem>>
    %dma_start3A_26 = tpu.memref_squeeze %dma_start3A_25 : memref<1x40xi32, #tpu.memory_space<vmem>> -> memref<40xi32, #tpu.memory_space<vmem>>
    %dma_start3A_27 = arith.constant 0 : i32
    %dma_start3A_28 = arith.constant 0 : i32
    %dma_start3A_29 = tpu.memref_slice %arg3[%dma_start3A_27, %dma_start3A_28] : memref<100000x304xf32, #tpu.memory_space<hbm>> -> memref<100000x304xf32, #tpu.memory_space<hbm>>
    tpu.enqueue_indirect_dma source(%dma_start3A_29 : memref<100000x304xf32, #tpu.memory_space<hbm>>) target(%arg9 : memref<40x304xf32, #tpu.memory_space<vmem>>) offsets(%dma_start3A_26 : memref<40xi32, #tpu.memory_space<vmem>>) semaphore(%arg15 : memref<!tpu.dma_semaphore, #tpu.memory_space<semaphore_mem>>)
    %dma_start3A_30 = arith.constant 0 : i32
    %dma_start3A_31 = arith.constant 160 : i32
    %dma_start3A_32 = tpu.memref_slice %arg5[%dma_start3A_30, %dma_start3A_31] : memref<32x200xi32, #tpu.memory_space<vmem>> -> memref<1x40xi32, #tpu.memory_space<vmem>>
    %dma_start3A_33 = tpu.memref_squeeze %dma_start3A_32 : memref<1x40xi32, #tpu.memory_space<vmem>> -> memref<40xi32, #tpu.memory_space<vmem>>
    %dma_start3A_34 = arith.constant 0 : i32
    %dma_start3A_35 = arith.constant 0 : i32
    %dma_start3A_36 = tpu.memref_slice %arg3[%dma_start3A_34, %dma_start3A_35] : memref<100000x304xf32, #tpu.memory_space<hbm>> -> memref<100000x304xf32, #tpu.memory_space<hbm>>
    tpu.enqueue_indirect_dma source(%dma_start3A_36 : memref<100000x304xf32, #tpu.memory_space<hbm>>) target(%arg10 : memref<40x304xf32, #tpu.memory_space<vmem>>) offsets(%dma_start3A_33 : memref<40xi32, #tpu.memory_space<vmem>>) semaphore(%arg16 : memref<!tpu.dma_semaphore, #tpu.memory_space<semaphore_mem>>)
    %scan3A = arith.constant 0 : i32
    %scan3A_37 = arith.constant 32 : i32
    %scan3A_38 = arith.addi %scan3A, %scan3A_37 : i32
    %scan3A_39 = arith.constant 1 : i32
    scf.for %scan3A_41 = %scan3A to %scan3A_38 step %scan3A_39  : i32 {
      %mul3A_42 = arith.constant 1 : i32
      %mul3A_43 = arith.muli %scan3A_41, %mul3A_42 : i32
      %add3A_44 = arith.constant 0 : i32
      %add3A_45 = arith.addi %add3A_44, %mul3A_43 : i32
      %broadcast_in_dim3A = arith.constant 0.000000e+00 : f32
      %broadcast_in_dim3A_46 = vector.broadcast %broadcast_in_dim3A : f32 to vector<16xf32>
      %broadcast_in_dim3A_47 = arith.constant 0.000000e+00 : f32
      %broadcast_in_dim3A_48 = vector.broadcast %broadcast_in_dim3A_47 : f32 to vector<16xf32>
      %broadcast_in_dim3A_49 = arith.constant 0.000000e+00 : f32
      %broadcast_in_dim3A_50 = vector.broadcast %broadcast_in_dim3A_49 : f32 to vector<16xf32>
      %broadcast_in_dim3A_51 = arith.constant 0.000000e+00 : f32
      %broadcast_in_dim3A_52 = vector.broadcast %broadcast_in_dim3A_51 : f32 to vector<16xf32>
      %broadcast_in_dim3A_53 = arith.constant 0.000000e+00 : f32
      %broadcast_in_dim3A_54 = vector.broadcast %broadcast_in_dim3A_53 : f32 to vector<16xf32>
      %broadcast_in_dim3A_55 = arith.constant 0.000000e+00 : f32
      %broadcast_in_dim3A_56 = vector.broadcast %broadcast_in_dim3A_55 : f32 to vector<16xf32>
      %broadcast_in_dim3A_57 = arith.constant 0.000000e+00 : f32
      %broadcast_in_dim3A_58 = vector.broadcast %broadcast_in_dim3A_57 : f32 to vector<16xf32>
      %broadcast_in_dim3A_59 = arith.constant 0.000000e+00 : f32
      %broadcast_in_dim3A_60 = vector.broadcast %broadcast_in_dim3A_59 : f32 to vector<16xf32>
      %broadcast_in_dim3A_61 = arith.constant 0.000000e+00 : f32
      %broadcast_in_dim3A_62 = vector.broadcast %broadcast_in_dim3A_61 : f32 to vector<16xf32>
      %broadcast_in_dim3A_63 = arith.constant 0.000000e+00 : f32
      %broadcast_in_dim3A_64 = vector.broadcast %broadcast_in_dim3A_63 : f32 to vector<16xf32>
      %broadcast_in_dim3A_65 = arith.constant 0.000000e+00 : f32
      %broadcast_in_dim3A_66 = vector.broadcast %broadcast_in_dim3A_65 : f32 to vector<16xf32>
      %broadcast_in_dim3A_67 = arith.constant 0.000000e+00 : f32
      %broadcast_in_dim3A_68 = vector.broadcast %broadcast_in_dim3A_67 : f32 to vector<16xf32>
      %broadcast_in_dim3A_69 = arith.constant 0.000000e+00 : f32
      %broadcast_in_dim3A_70 = vector.broadcast %broadcast_in_dim3A_69 : f32 to vector<16xf32>
      %broadcast_in_dim3A_71 = arith.constant 0.000000e+00 : f32
      %broadcast_in_dim3A_72 = vector.broadcast %broadcast_in_dim3A_71 : f32 to vector<16xf32>
      %broadcast_in_dim3A_73 = arith.constant 0.000000e+00 : f32
      %broadcast_in_dim3A_74 = vector.broadcast %broadcast_in_dim3A_73 : f32 to vector<16xf32>
      %broadcast_in_dim3A_75 = arith.constant 0.000000e+00 : f32
      %broadcast_in_dim3A_76 = vector.broadcast %broadcast_in_dim3A_75 : f32 to vector<16xf32>
      %broadcast_in_dim3A_77 = arith.constant 0.000000e+00 : f32
      %broadcast_in_dim3A_78 = vector.broadcast %broadcast_in_dim3A_77 : f32 to vector<16xf32>
      %broadcast_in_dim3A_79 = arith.constant 0.000000e+00 : f32
      %broadcast_in_dim3A_80 = vector.broadcast %broadcast_in_dim3A_79 : f32 to vector<16xf32>
      %broadcast_in_dim3A_81 = arith.constant 0.000000e+00 : f32
      %broadcast_in_dim3A_82 = vector.broadcast %broadcast_in_dim3A_81 : f32 to vector<16xf32>
      %dma_wait3A = arith.constant 0 : i32
      %dma_wait3A_83 = tpu.memref_slice %arg5[%add3A_45, %dma_wait3A] : memref<32x200xi32, #tpu.memory_space<vmem>> -> memref<1x40xi32, #tpu.memory_space<vmem>>
      %dma_wait3A_84 = tpu.memref_squeeze %dma_wait3A_83 : memref<1x40xi32, #tpu.memory_space<vmem>> -> memref<40xi32, #tpu.memory_space<vmem>>
      %dma_wait3A_85 = arith.constant 0 : i32
      %dma_wait3A_86 = arith.constant 0 : i32
      %dma_wait3A_87 = tpu.memref_slice %arg3[%dma_wait3A_85, %dma_wait3A_86] : memref<100000x304xf32, #tpu.memory_space<hbm>> -> memref<100000x304xf32, #tpu.memory_space<hbm>>
      tpu.wait_indirect_dma semaphore(%arg12 : memref<!tpu.dma_semaphore, #tpu.memory_space<semaphore_mem>>) src(%dma_wait3A_87 : memref<100000x304xf32, #tpu.memory_space<hbm>>) dst(%arg6 : memref<40x304xf32, #tpu.memory_space<vmem>>)
      %scan3A_88 = arith.constant 0 : i32
      %scan3A_89 = arith.constant 40 : i32
      %scan3A_90 = arith.addi %scan3A_88, %scan3A_89 : i32
      %scan3A_91 = arith.constant 1 : i32
      %scan3A_92:19 = scf.for %scan3A_230 = %scan3A_88 to %scan3A_90 step %scan3A_91 iter_args(%scan3A_231 = %broadcast_in_dim3A_46, %scan3A_232 = %broadcast_in_dim3A_48, %scan3A_233 = %broadcast_in_dim3A_50, %scan3A_234 = %broadcast_in_dim3A_52, %scan3A_235 = %broadcast_in_dim3A_54, %scan3A_236 = %broadcast_in_dim3A_56, %scan3A_237 = %broadcast_in_dim3A_58, %scan3A_238 = %broadcast_in_dim3A_60, %scan3A_239 = %broadcast_in_dim3A_62, %scan3A_240 = %broadcast_in_dim3A_64, %scan3A_241 = %broadcast_in_dim3A_66, %scan3A_242 = %broadcast_in_dim3A_68, %scan3A_243 = %broadcast_in_dim3A_70, %scan3A_244 = %broadcast_in_dim3A_72, %scan3A_245 = %broadcast_in_dim3A_74, %scan3A_246 = %broadcast_in_dim3A_76, %scan3A_247 = %broadcast_in_dim3A_78, %scan3A_248 = %broadcast_in_dim3A_80, %scan3A_249 = %broadcast_in_dim3A_82) -> (vector<16xf32>, vector<16xf32>, vector<16xf32>, vector<16xf32>, vector<16xf32>, vector<16xf32>, vector<16xf32>, vector<16xf32>, vector<16xf32>, vector<16xf32>, vector<16xf32>, vector<16xf32>, vector<16xf32>, vector<16xf32>, vector<16xf32>, vector<16xf32>, vector<16xf32>, vector<16xf32>, vector<16xf32>)  : i32 {
        %get3A = arith.index_cast %scan3A_230 : i32 to index
        %get3A_250 = arith.constant 0 : index
        %get3A_251 = tpu.vector_load %arg6[%get3A, %get3A_250] {strides = array<i32>} : memref<40x304xf32, #tpu.memory_space<vmem>>, vector<16xf32>,
        %add3A_252 = arith.addf %scan3A_231, %get3A_251 : vector<16xf32>
        %get3A_253 = arith.index_cast %scan3A_230 : i32 to index
        %get3A_254 = arith.constant 16 : index
        %get3A_255 = tpu.vector_load %arg6[%get3A_253, %get3A_254] {strides = array<i32>} : memref<40x304xf32, #tpu.memory_space<vmem>>, vector<16xf32>,
        %add3A_256 = arith.addf %scan3A_232, %get3A_255 : vector<16xf32>
        %get3A_257 = arith.index_cast %scan3A_230 : i32 to index
        %get3A_258 = arith.constant 32 : index
        %get3A_259 = tpu.vector_load %arg6[%get3A_257, %get3A_258] {strides = array<i32>} : memref<40x304xf32, #tpu.memory_space<vmem>>, vector<16xf32>,
        %add3A_260 = arith.addf %scan3A_233, %get3A_259 : vector<16xf32>
        %get3A_261 = arith.index_cast %scan3A_230 : i32 to index
        %get3A_262 = arith.constant 48 : index
        %get3A_263 = tpu.vector_load %arg6[%get3A_261, %get3A_262] {strides = array<i32>} : memref<40x304xf32, #tpu.memory_space<vmem>>, vector<16xf32>,
        %add3A_264 = arith.addf %scan3A_234, %get3A_263 : vector<16xf32>
        %get3A_265 = arith.index_cast %scan3A_230 : i32 to index
        %get3A_266 = arith.constant 64 : index
        %get3A_267 = tpu.vector_load %arg6[%get3A_265, %get3A_266] {strides = array<i32>} : memref<40x304xf32, #tpu.memory_space<vmem>>, vector<16xf32>,
        %add3A_268 = arith.addf %scan3A_235, %get3A_267 : vector<16xf32>
        %get3A_269 = arith.index_cast %scan3A_230 : i32 to index
        %get3A_270 = arith.constant 80 : index
        %get3A_271 = tpu.vector_load %arg6[%get3A_269, %get3A_270] {strides = array<i32>} : memref<40x304xf32, #tpu.memory_space<vmem>>, vector<16xf32>,
        %add3A_272 = arith.addf %scan3A_236, %get3A_271 : vector<16xf32>
        %get3A_273 = arith.index_cast %scan3A_230 : i32 to index
        %get3A_274 = arith.constant 96 : index
        %get3A_275 = tpu.vector_load %arg6[%get3A_273, %get3A_274] {strides = array<i32>} : memref<40x304xf32, #tpu.memory_space<vmem>>, vector<16xf32>,
        %add3A_276 = arith.addf %scan3A_237, %get3A_275 : vector<16xf32>
        %get3A_277 = arith.index_cast %scan3A_230 : i32 to index
        %get3A_278 = arith.constant 112 : index
        %get3A_279 = tpu.vector_load %arg6[%get3A_277, %get3A_278] {strides = array<i32>} : memref<40x304xf32, #tpu.memory_space<vmem>>, vector<16xf32>,
        %add3A_280 = arith.addf %scan3A_238, %get3A_279 : vector<16xf32>
        %get3A_281 = arith.index_cast %scan3A_230 : i32 to index
        %get3A_282 = arith.constant 128 : index
        %get3A_283 = tpu.vector_load %arg6[%get3A_281, %get3A_282] {strides = array<i32>} : memref<40x304xf32, #tpu.memory_space<vmem>>, vector<16xf32>,
        %add3A_284 = arith.addf %scan3A_239, %get3A_283 : vector<16xf32>
        %get3A_285 = arith.index_cast %scan3A_230 : i32 to index
        %get3A_286 = arith.constant 144 : index
        %get3A_287 = tpu.vector_load %arg6[%get3A_285, %get3A_286] {strides = array<i32>} : memref<40x304xf32, #tpu.memory_space<vmem>>, vector<16xf32>,
        %add3A_288 = arith.addf %scan3A_240, %get3A_287 : vector<16xf32>
        %get3A_289 = arith.index_cast %scan3A_230 : i32 to index
        %get3A_290 = arith.constant 160 : index
        %get3A_291 = tpu.vector_load %arg6[%get3A_289, %get3A_290] {strides = array<i32>} : memref<40x304xf32, #tpu.memory_space<vmem>>, vector<16xf32>,
        %add3A_292 = arith.addf %scan3A_241, %get3A_291 : vector<16xf32>
        %get3A_293 = arith.index_cast %scan3A_230 : i32 to index
        %get3A_294 = arith.constant 176 : index
        %get3A_295 = tpu.vector_load %arg6[%get3A_293, %get3A_294] {strides = array<i32>} : memref<40x304xf32, #tpu.memory_space<vmem>>, vector<16xf32>,
        %add3A_296 = arith.addf %scan3A_242, %get3A_295 : vector<16xf32>
        %get3A_297 = arith.index_cast %scan3A_230 : i32 to index
        %get3A_298 = arith.constant 192 : index
        %get3A_299 = tpu.vector_load %arg6[%get3A_297, %get3A_298] {strides = array<i32>} : memref<40x304xf32, #tpu.memory_space<vmem>>, vector<16xf32>,
        %add3A_300 = arith.addf %scan3A_243, %get3A_299 : vector<16xf32>
        %get3A_301 = arith.index_cast %scan3A_230 : i32 to index
        %get3A_302 = arith.constant 208 : index
        %get3A_303 = tpu.vector_load %arg6[%get3A_301, %get3A_302] {strides = array<i32>} : memref<40x304xf32, #tpu.memory_space<vmem>>, vector<16xf32>,
        %add3A_304 = arith.addf %scan3A_244, %get3A_303 : vector<16xf32>
        %get3A_305 = arith.index_cast %scan3A_230 : i32 to index
        %get3A_306 = arith.constant 224 : index
        %get3A_307 = tpu.vector_load %arg6[%get3A_305, %get3A_306] {strides = array<i32>} : memref<40x304xf32, #tpu.memory_space<vmem>>, vector<16xf32>,
        %add3A_308 = arith.addf %scan3A_245, %get3A_307 : vector<16xf32>
        %get3A_309 = arith.index_cast %scan3A_230 : i32 to index
        %get3A_310 = arith.constant 240 : index
        %get3A_311 = tpu.vector_load %arg6[%get3A_309, %get3A_310] {strides = array<i32>} : memref<40x304xf32, #tpu.memory_space<vmem>>, vector<16xf32>,
        %add3A_312 = arith.addf %scan3A_246, %get3A_311 : vector<16xf32>
        %get3A_313 = arith.index_cast %scan3A_230 : i32 to index
        %get3A_314 = arith.constant 256 : index
        %get3A_315 = tpu.vector_load %arg6[%get3A_313, %get3A_314] {strides = array<i32>} : memref<40x304xf32, #tpu.memory_space<vmem>>, vector<16xf32>,
        %add3A_316 = arith.addf %scan3A_247, %get3A_315 : vector<16xf32>
        %get3A_317 = arith.index_cast %scan3A_230 : i32 to index
        %get3A_318 = arith.constant 272 : index
        %get3A_319 = tpu.vector_load %arg6[%get3A_317, %get3A_318] {strides = array<i32>} : memref<40x304xf32, #tpu.memory_space<vmem>>, vector<16xf32>,
        %add3A_320 = arith.addf %scan3A_248, %get3A_319 : vector<16xf32>
        %get3A_321 = arith.index_cast %scan3A_230 : i32 to index
        %get3A_322 = arith.constant 288 : index
        %get3A_323 = tpu.vector_load %arg6[%get3A_321, %get3A_322] {strides = array<i32>} : memref<40x304xf32, #tpu.memory_space<vmem>>, vector<16xf32>,
        %add3A_324 = arith.addf %scan3A_249, %get3A_323 : vector<16xf32>
        scf.yield %add3A_252, %add3A_256, %add3A_260, %add3A_264, %add3A_268, %add3A_272, %add3A_276, %add3A_280, %add3A_284, %add3A_288, %add3A_292, %add3A_296, %add3A_300, %add3A_304, %add3A_308, %add3A_312, %add3A_316, %add3A_320, %add3A_324 : vector<16xf32>, vector<16xf32>, vector<16xf32>, vector<16xf32>, vector<16xf32>, vector<16xf32>, vector<16xf32>, vector<16xf32>, vector<16xf32>, vector<16xf32>, vector<16xf32>, vector<16xf32>, vector<16xf32>, vector<16xf32>, vector<16xf32>, vector<16xf32>, vector<16xf32>, vector<16xf32>, vector<16xf32>
      }
      %scan3A_93 = arith.constant 40 : i32
      %add3A_94 = arith.constant 1 : i32
      %add3A_95 = arith.addi %add3A_45, %add3A_94 : i32
      %lt3A = arith.constant 32 : i32
      %lt3A_96 = arith.cmpi slt, %add3A_95, %lt3A : i32
      %convert_element_type3A = arith.extui %lt3A_96 : i1 to i32
      %cond3A = arith.constant 0 : i32
      %cond3A_97 = arith.cmpi ne, %convert_element_type3A, %cond3A : i32
      scf.if %cond3A_97 {
        %add3A_230 = arith.constant 1 : i32
        %add3A_231 = arith.addi %add3A_45, %add3A_230 : i32
        %dma_start3A_232 = arith.constant 0 : i32
        %dma_start3A_233 = tpu.memref_slice %arg5[%add3A_231, %dma_start3A_232] : memref<32x200xi32, #tpu.memory_space<vmem>> -> memref<1x40xi32, #tpu.memory_space<vmem>>
        %dma_start3A_234 = tpu.memref_squeeze %dma_start3A_233 : memref<1x40xi32, #tpu.memory_space<vmem>> -> memref<40xi32, #tpu.memory_space<vmem>>
        %dma_start3A_235 = arith.constant 0 : i32
        %dma_start3A_236 = arith.constant 0 : i32
        %dma_start3A_237 = tpu.memref_slice %arg3[%dma_start3A_235, %dma_start3A_236] : memref<100000x304xf32, #tpu.memory_space<hbm>> -> memref<100000x304xf32, #tpu.memory_space<hbm>>
        tpu.enqueue_indirect_dma source(%dma_start3A_237 : memref<100000x304xf32, #tpu.memory_space<hbm>>) target(%arg6 : memref<40x304xf32, #tpu.memory_space<vmem>>) offsets(%dma_start3A_234 : memref<40xi32, #tpu.memory_space<vmem>>) semaphore(%arg12 : memref<!tpu.dma_semaphore, #tpu.memory_space<semaphore_mem>>)
      } else {
      }
      %dma_wait3A_98 = arith.constant 40 : i32
      %dma_wait3A_99 = tpu.memref_slice %arg5[%add3A_45, %dma_wait3A_98] : memref<32x200xi32, #tpu.memory_space<vmem>> -> memref<1x40xi32, #tpu.memory_space<vmem>>
      %dma_wait3A_100 = tpu.memref_squeeze %dma_wait3A_99 : memref<1x40xi32, #tpu.memory_space<vmem>> -> memref<40xi32, #tpu.memory_space<vmem>>
      %dma_wait3A_101 = arith.constant 0 : i32
      %dma_wait3A_102 = arith.constant 0 : i32
      %dma_wait3A_103 = tpu.memref_slice %arg3[%dma_wait3A_101, %dma_wait3A_102] : memref<100000x304xf32, #tpu.memory_space<hbm>> -> memref<100000x304xf32, #tpu.memory_space<hbm>>
      tpu.wait_indirect_dma semaphore(%arg13 : memref<!tpu.dma_semaphore, #tpu.memory_space<semaphore_mem>>) src(%dma_wait3A_103 : memref<100000x304xf32, #tpu.memory_space<hbm>>) dst(%arg7 : memref<40x304xf32, #tpu.memory_space<vmem>>)
      %scan3A_104 = arith.constant 0 : i32
      %scan3A_105 = arith.constant 40 : i32
      %scan3A_106 = arith.addi %scan3A_104, %scan3A_105 : i32
      %scan3A_107 = arith.constant 1 : i32
      %scan3A_108:19 = scf.for %scan3A_230 = %scan3A_104 to %scan3A_106 step %scan3A_107 iter_args(%scan3A_231 = %scan3A_92#0, %scan3A_232 = %scan3A_92#1, %scan3A_233 = %scan3A_92#2, %scan3A_234 = %scan3A_92#3, %scan3A_235 = %scan3A_92#4, %scan3A_236 = %scan3A_92#5, %scan3A_237 = %scan3A_92#6, %scan3A_238 = %scan3A_92#7, %scan3A_239 = %scan3A_92#8, %scan3A_240 = %scan3A_92#9, %scan3A_241 = %scan3A_92#10, %scan3A_242 = %scan3A_92#11, %scan3A_243 = %scan3A_92#12, %scan3A_244 = %scan3A_92#13, %scan3A_245 = %scan3A_92#14, %scan3A_246 = %scan3A_92#15, %scan3A_247 = %scan3A_92#16, %scan3A_248 = %scan3A_92#17, %scan3A_249 = %scan3A_92#18) -> (vector<16xf32>, vector<16xf32>, vector<16xf32>, vector<16xf32>, vector<16xf32>, vector<16xf32>, vector<16xf32>, vector<16xf32>, vector<16xf32>, vector<16xf32>, vector<16xf32>, vector<16xf32>, vector<16xf32>, vector<16xf32>, vector<16xf32>, vector<16xf32>, vector<16xf32>, vector<16xf32>, vector<16xf32>)  : i32 {
        %get3A = arith.index_cast %scan3A_230 : i32 to index
        %get3A_250 = arith.constant 0 : index
        %get3A_251 = tpu.vector_load %arg7[%get3A, %get3A_250] {strides = array<i32>} : memref<40x304xf32, #tpu.memory_space<vmem>>, vector<16xf32>,
        %add3A_252 = arith.addf %scan3A_231, %get3A_251 : vector<16xf32>
        %get3A_253 = arith.index_cast %scan3A_230 : i32 to index
        %get3A_254 = arith.constant 16 : index
        %get3A_255 = tpu.vector_load %arg7[%get3A_253, %get3A_254] {strides = array<i32>} : memref<40x304xf32, #tpu.memory_space<vmem>>, vector<16xf32>,
        %add3A_256 = arith.addf %scan3A_232, %get3A_255 : vector<16xf32>
        %get3A_257 = arith.index_cast %scan3A_230 : i32 to index
        %get3A_258 = arith.constant 32 : index
        %get3A_259 = tpu.vector_load %arg7[%get3A_257, %get3A_258] {strides = array<i32>} : memref<40x304xf32, #tpu.memory_space<vmem>>, vector<16xf32>,
        %add3A_260 = arith.addf %scan3A_233, %get3A_259 : vector<16xf32>
        %get3A_261 = arith.index_cast %scan3A_230 : i32 to index
        %get3A_262 = arith.constant 48 : index
        %get3A_263 = tpu.vector_load %arg7[%get3A_261, %get3A_262] {strides = array<i32>} : memref<40x304xf32, #tpu.memory_space<vmem>>, vector<16xf32>,
        %add3A_264 = arith.addf %scan3A_234, %get3A_263 : vector<16xf32>
        %get3A_265 = arith.index_cast %scan3A_230 : i32 to index
        %get3A_266 = arith.constant 64 : index
        %get3A_267 = tpu.vector_load %arg7[%get3A_265, %get3A_266] {strides = array<i32>} : memref<40x304xf32, #tpu.memory_space<vmem>>, vector<16xf32>,
        %add3A_268 = arith.addf %scan3A_235, %get3A_267 : vector<16xf32>
        %get3A_269 = arith.index_cast %scan3A_230 : i32 to index
        %get3A_270 = arith.constant 80 : index
        %get3A_271 = tpu.vector_load %arg7[%get3A_269, %get3A_270] {strides = array<i32>} : memref<40x304xf32, #tpu.memory_space<vmem>>, vector<16xf32>,
        %add3A_272 = arith.addf %scan3A_236, %get3A_271 : vector<16xf32>
        %get3A_273 = arith.index_cast %scan3A_230 : i32 to index
        %get3A_274 = arith.constant 96 : index
        %get3A_275 = tpu.vector_load %arg7[%get3A_273, %get3A_274] {strides = array<i32>} : memref<40x304xf32, #tpu.memory_space<vmem>>, vector<16xf32>,
        %add3A_276 = arith.addf %scan3A_237, %get3A_275 : vector<16xf32>
        %get3A_277 = arith.index_cast %scan3A_230 : i32 to index
        %get3A_278 = arith.constant 112 : index
        %get3A_279 = tpu.vector_load %arg7[%get3A_277, %get3A_278] {strides = array<i32>} : memref<40x304xf32, #tpu.memory_space<vmem>>, vector<16xf32>,
        %add3A_280 = arith.addf %scan3A_238, %get3A_279 : vector<16xf32>
        %get3A_281 = arith.index_cast %scan3A_230 : i32 to index
        %get3A_282 = arith.constant 128 : index
        %get3A_283 = tpu.vector_load %arg7[%get3A_281, %get3A_282] {strides = array<i32>} : memref<40x304xf32, #tpu.memory_space<vmem>>, vector<16xf32>,
        %add3A_284 = arith.addf %scan3A_239, %get3A_283 : vector<16xf32>
        %get3A_285 = arith.index_cast %scan3A_230 : i32 to index
        %get3A_286 = arith.constant 144 : index
        %get3A_287 = tpu.vector_load %arg7[%get3A_285, %get3A_286] {strides = array<i32>} : memref<40x304xf32, #tpu.memory_space<vmem>>, vector<16xf32>,
        %add3A_288 = arith.addf %scan3A_240, %get3A_287 : vector<16xf32>
        %get3A_289 = arith.index_cast %scan3A_230 : i32 to index
        %get3A_290 = arith.constant 160 : index
        %get3A_291 = tpu.vector_load %arg7[%get3A_289, %get3A_290] {strides = array<i32>} : memref<40x304xf32, #tpu.memory_space<vmem>>, vector<16xf32>,
        %add3A_292 = arith.addf %scan3A_241, %get3A_291 : vector<16xf32>
        %get3A_293 = arith.index_cast %scan3A_230 : i32 to index
        %get3A_294 = arith.constant 176 : index
        %get3A_295 = tpu.vector_load %arg7[%get3A_293, %get3A_294] {strides = array<i32>} : memref<40x304xf32, #tpu.memory_space<vmem>>, vector<16xf32>,
        %add3A_296 = arith.addf %scan3A_242, %get3A_295 : vector<16xf32>
        %get3A_297 = arith.index_cast %scan3A_230 : i32 to index
        %get3A_298 = arith.constant 192 : index
        %get3A_299 = tpu.vector_load %arg7[%get3A_297, %get3A_298] {strides = array<i32>} : memref<40x304xf32, #tpu.memory_space<vmem>>, vector<16xf32>,
        %add3A_300 = arith.addf %scan3A_243, %get3A_299 : vector<16xf32>
        %get3A_301 = arith.index_cast %scan3A_230 : i32 to index
        %get3A_302 = arith.constant 208 : index
        %get3A_303 = tpu.vector_load %arg7[%get3A_301, %get3A_302] {strides = array<i32>} : memref<40x304xf32, #tpu.memory_space<vmem>>, vector<16xf32>,
        %add3A_304 = arith.addf %scan3A_244, %get3A_303 : vector<16xf32>
        %get3A_305 = arith.index_cast %scan3A_230 : i32 to index
        %get3A_306 = arith.constant 224 : index
        %get3A_307 = tpu.vector_load %arg7[%get3A_305, %get3A_306] {strides = array<i32>} : memref<40x304xf32, #tpu.memory_space<vmem>>, vector<16xf32>,
        %add3A_308 = arith.addf %scan3A_245, %get3A_307 : vector<16xf32>
        %get3A_309 = arith.index_cast %scan3A_230 : i32 to index
        %get3A_310 = arith.constant 240 : index
        %get3A_311 = tpu.vector_load %arg7[%get3A_309, %get3A_310] {strides = array<i32>} : memref<40x304xf32, #tpu.memory_space<vmem>>, vector<16xf32>,
        %add3A_312 = arith.addf %scan3A_246, %get3A_311 : vector<16xf32>
        %get3A_313 = arith.index_cast %scan3A_230 : i32 to index
        %get3A_314 = arith.constant 256 : index
        %get3A_315 = tpu.vector_load %arg7[%get3A_313, %get3A_314] {strides = array<i32>} : memref<40x304xf32, #tpu.memory_space<vmem>>, vector<16xf32>,
        %add3A_316 = arith.addf %scan3A_247, %get3A_315 : vector<16xf32>
        %get3A_317 = arith.index_cast %scan3A_230 : i32 to index
        %get3A_318 = arith.constant 272 : index
        %get3A_319 = tpu.vector_load %arg7[%get3A_317, %get3A_318] {strides = array<i32>} : memref<40x304xf32, #tpu.memory_space<vmem>>, vector<16xf32>,
        %add3A_320 = arith.addf %scan3A_248, %get3A_319 : vector<16xf32>
        %get3A_321 = arith.index_cast %scan3A_230 : i32 to index
        %get3A_322 = arith.constant 288 : index
        %get3A_323 = tpu.vector_load %arg7[%get3A_321, %get3A_322] {strides = array<i32>} : memref<40x304xf32, #tpu.memory_space<vmem>>, vector<16xf32>,
        %add3A_324 = arith.addf %scan3A_249, %get3A_323 : vector<16xf32>
        scf.yield %add3A_252, %add3A_256, %add3A_260, %add3A_264, %add3A_268, %add3A_272, %add3A_276, %add3A_280, %add3A_284, %add3A_288, %add3A_292, %add3A_296, %add3A_300, %add3A_304, %add3A_308, %add3A_312, %add3A_316, %add3A_320, %add3A_324 : vector<16xf32>, vector<16xf32>, vector<16xf32>, vector<16xf32>, vector<16xf32>, vector<16xf32>, vector<16xf32>, vector<16xf32>, vector<16xf32>, vector<16xf32>, vector<16xf32>, vector<16xf32>, vector<16xf32>, vector<16xf32>, vector<16xf32>, vector<16xf32>, vector<16xf32>, vector<16xf32>, vector<16xf32>
      }
      %scan3A_109 = arith.constant 40 : i32
      %add3A_110 = arith.constant 1 : i32
      %add3A_111 = arith.addi %add3A_45, %add3A_110 : i32
      %lt3A_112 = arith.constant 32 : i32
      %lt3A_113 = arith.cmpi slt, %add3A_111, %lt3A_112 : i32
      %convert_element_type3A_114 = arith.extui %lt3A_113 : i1 to i32
      %cond3A_115 = arith.constant 0 : i32
      %cond3A_116 = arith.cmpi ne, %convert_element_type3A_114, %cond3A_115 : i32
      scf.if %cond3A_116 {
        %add3A_230 = arith.constant 1 : i32
        %add3A_231 = arith.addi %add3A_45, %add3A_230 : i32
        %dma_start3A_232 = arith.constant 40 : i32
        %dma_start3A_233 = tpu.memref_slice %arg5[%add3A_231, %dma_start3A_232] : memref<32x200xi32, #tpu.memory_space<vmem>> -> memref<1x40xi32, #tpu.memory_space<vmem>>
        %dma_start3A_234 = tpu.memref_squeeze %dma_start3A_233 : memref<1x40xi32, #tpu.memory_space<vmem>> -> memref<40xi32, #tpu.memory_space<vmem>>
        %dma_start3A_235 = arith.constant 0 : i32
        %dma_start3A_236 = arith.constant 0 : i32
        %dma_start3A_237 = tpu.memref_slice %arg3[%dma_start3A_235, %dma_start3A_236] : memref<100000x304xf32, #tpu.memory_space<hbm>> -> memref<100000x304xf32, #tpu.memory_space<hbm>>
        tpu.enqueue_indirect_dma source(%dma_start3A_237 : memref<100000x304xf32, #tpu.memory_space<hbm>>) target(%arg7 : memref<40x304xf32, #tpu.memory_space<vmem>>) offsets(%dma_start3A_234 : memref<40xi32, #tpu.memory_space<vmem>>) semaphore(%arg13 : memref<!tpu.dma_semaphore, #tpu.memory_space<semaphore_mem>>)
      } else {
      }
      %dma_wait3A_117 = arith.constant 80 : i32
      %dma_wait3A_118 = tpu.memref_slice %arg5[%add3A_45, %dma_wait3A_117] : memref<32x200xi32, #tpu.memory_space<vmem>> -> memref<1x40xi32, #tpu.memory_space<vmem>>
      %dma_wait3A_119 = tpu.memref_squeeze %dma_wait3A_118 : memref<1x40xi32, #tpu.memory_space<vmem>> -> memref<40xi32, #tpu.memory_space<vmem>>
      %dma_wait3A_120 = arith.constant 0 : i32
      %dma_wait3A_121 = arith.constant 0 : i32
      %dma_wait3A_122 = tpu.memref_slice %arg3[%dma_wait3A_120, %dma_wait3A_121] : memref<100000x304xf32, #tpu.memory_space<hbm>> -> memref<100000x304xf32, #tpu.memory_space<hbm>>
      tpu.wait_indirect_dma semaphore(%arg14 : memref<!tpu.dma_semaphore, #tpu.memory_space<semaphore_mem>>) src(%dma_wait3A_122 : memref<100000x304xf32, #tpu.memory_space<hbm>>) dst(%arg8 : memref<40x304xf32, #tpu.memory_space<vmem>>)
      %scan3A_123 = arith.constant 0 : i32
      %scan3A_124 = arith.constant 40 : i32
      %scan3A_125 = arith.addi %scan3A_123, %scan3A_124 : i32
      %scan3A_126 = arith.constant 1 : i32
      %scan3A_127:19 = scf.for %scan3A_230 = %scan3A_123 to %scan3A_125 step %scan3A_126 iter_args(%scan3A_231 = %scan3A_108#0, %scan3A_232 = %scan3A_108#1, %scan3A_233 = %scan3A_108#2, %scan3A_234 = %scan3A_108#3, %scan3A_235 = %scan3A_108#4, %scan3A_236 = %scan3A_108#5, %scan3A_237 = %scan3A_108#6, %scan3A_238 = %scan3A_108#7, %scan3A_239 = %scan3A_108#8, %scan3A_240 = %scan3A_108#9, %scan3A_241 = %scan3A_108#10, %scan3A_242 = %scan3A_108#11, %scan3A_243 = %scan3A_108#12, %scan3A_244 = %scan3A_108#13, %scan3A_245 = %scan3A_108#14, %scan3A_246 = %scan3A_108#15, %scan3A_247 = %scan3A_108#16, %scan3A_248 = %scan3A_108#17, %scan3A_249 = %scan3A_108#18) -> (vector<16xf32>, vector<16xf32>, vector<16xf32>, vector<16xf32>, vector<16xf32>, vector<16xf32>, vector<16xf32>, vector<16xf32>, vector<16xf32>, vector<16xf32>, vector<16xf32>, vector<16xf32>, vector<16xf32>, vector<16xf32>, vector<16xf32>, vector<16xf32>, vector<16xf32>, vector<16xf32>, vector<16xf32>)  : i32 {
        %get3A = arith.index_cast %scan3A_230 : i32 to index
        %get3A_250 = arith.constant 0 : index
        %get3A_251 = tpu.vector_load %arg8[%get3A, %get3A_250] {strides = array<i32>} : memref<40x304xf32, #tpu.memory_space<vmem>>, vector<16xf32>,
        %add3A_252 = arith.addf %scan3A_231, %get3A_251 : vector<16xf32>
        %get3A_253 = arith.index_cast %scan3A_230 : i32 to index
        %get3A_254 = arith.constant 16 : index
        %get3A_255 = tpu.vector_load %arg8[%get3A_253, %get3A_254] {strides = array<i32>} : memref<40x304xf32, #tpu.memory_space<vmem>>, vector<16xf32>,
        %add3A_256 = arith.addf %scan3A_232, %get3A_255 : vector<16xf32>
        %get3A_257 = arith.index_cast %scan3A_230 : i32 to index
        %get3A_258 = arith.constant 32 : index
        %get3A_259 = tpu.vector_load %arg8[%get3A_257, %get3A_258] {strides = array<i32>} : memref<40x304xf32, #tpu.memory_space<vmem>>, vector<16xf32>,
        %add3A_260 = arith.addf %scan3A_233, %get3A_259 : vector<16xf32>
        %get3A_261 = arith.index_cast %scan3A_230 : i32 to index
        %get3A_262 = arith.constant 48 : index
        %get3A_263 = tpu.vector_load %arg8[%get3A_261, %get3A_262] {strides = array<i32>} : memref<40x304xf32, #tpu.memory_space<vmem>>, vector<16xf32>,
        %add3A_264 = arith.addf %scan3A_234, %get3A_263 : vector<16xf32>
        %get3A_265 = arith.index_cast %scan3A_230 : i32 to index
        %get3A_266 = arith.constant 64 : index
        %get3A_267 = tpu.vector_load %arg8[%get3A_265, %get3A_266] {strides = array<i32>} : memref<40x304xf32, #tpu.memory_space<vmem>>, vector<16xf32>,
        %add3A_268 = arith.addf %scan3A_235, %get3A_267 : vector<16xf32>
        %get3A_269 = arith.index_cast %scan3A_230 : i32 to index
        %get3A_270 = arith.constant 80 : index
        %get3A_271 = tpu.vector_load %arg8[%get3A_269, %get3A_270] {strides = array<i32>} : memref<40x304xf32, #tpu.memory_space<vmem>>, vector<16xf32>,
        %add3A_272 = arith.addf %scan3A_236, %get3A_271 : vector<16xf32>
        %get3A_273 = arith.index_cast %scan3A_230 : i32 to index
        %get3A_274 = arith.constant 96 : index
        %get3A_275 = tpu.vector_load %arg8[%get3A_273, %get3A_274] {strides = array<i32>} : memref<40x304xf32, #tpu.memory_space<vmem>>, vector<16xf32>,
        %add3A_276 = arith.addf %scan3A_237, %get3A_275 : vector<16xf32>
        %get3A_277 = arith.index_cast %scan3A_230 : i32 to index
        %get3A_278 = arith.constant 112 : index
        %get3A_279 = tpu.vector_load %arg8[%get3A_277, %get3A_278] {strides = array<i32>} : memref<40x304xf32, #tpu.memory_space<vmem>>, vector<16xf32>,
        %add3A_280 = arith.addf %scan3A_238, %get3A_279 : vector<16xf32>
        %get3A_281 = arith.index_cast %scan3A_230 : i32 to index
        %get3A_282 = arith.constant 128 : index
        %get3A_283 = tpu.vector_load %arg8[%get3A_281, %get3A_282] {strides = array<i32>} : memref<40x304xf32, #tpu.memory_space<vmem>>, vector<16xf32>,
        %add3A_284 = arith.addf %scan3A_239, %get3A_283 : vector<16xf32>
        %get3A_285 = arith.index_cast %scan3A_230 : i32 to index
        %get3A_286 = arith.constant 144 : index
        %get3A_287 = tpu.vector_load %arg8[%get3A_285, %get3A_286] {strides = array<i32>} : memref<40x304xf32, #tpu.memory_space<vmem>>, vector<16xf32>,
        %add3A_288 = arith.addf %scan3A_240, %get3A_287 : vector<16xf32>
        %get3A_289 = arith.index_cast %scan3A_230 : i32 to index
        %get3A_290 = arith.constant 160 : index
        %get3A_291 = tpu.vector_load %arg8[%get3A_289, %get3A_290] {strides = array<i32>} : memref<40x304xf32, #tpu.memory_space<vmem>>, vector<16xf32>,
        %add3A_292 = arith.addf %scan3A_241, %get3A_291 : vector<16xf32>
        %get3A_293 = arith.index_cast %scan3A_230 : i32 to index
        %get3A_294 = arith.constant 176 : index
        %get3A_295 = tpu.vector_load %arg8[%get3A_293, %get3A_294] {strides = array<i32>} : memref<40x304xf32, #tpu.memory_space<vmem>>, vector<16xf32>,
        %add3A_296 = arith.addf %scan3A_242, %get3A_295 : vector<16xf32>
        %get3A_297 = arith.index_cast %scan3A_230 : i32 to index
        %get3A_298 = arith.constant 192 : index
        %get3A_299 = tpu.vector_load %arg8[%get3A_297, %get3A_298] {strides = array<i32>} : memref<40x304xf32, #tpu.memory_space<vmem>>, vector<16xf32>,
        %add3A_300 = arith.addf %scan3A_243, %get3A_299 : vector<16xf32>
        %get3A_301 = arith.index_cast %scan3A_230 : i32 to index
        %get3A_302 = arith.constant 208 : index
        %get3A_303 = tpu.vector_load %arg8[%get3A_301, %get3A_302] {strides = array<i32>} : memref<40x304xf32, #tpu.memory_space<vmem>>, vector<16xf32>,
        %add3A_304 = arith.addf %scan3A_244, %get3A_303 : vector<16xf32>
        %get3A_305 = arith.index_cast %scan3A_230 : i32 to index
        %get3A_306 = arith.constant 224 : index
        %get3A_307 = tpu.vector_load %arg8[%get3A_305, %get3A_306] {strides = array<i32>} : memref<40x304xf32, #tpu.memory_space<vmem>>, vector<16xf32>,
        %add3A_308 = arith.addf %scan3A_245, %get3A_307 : vector<16xf32>
        %get3A_309 = arith.index_cast %scan3A_230 : i32 to index
        %get3A_310 = arith.constant 240 : index
        %get3A_311 = tpu.vector_load %arg8[%get3A_309, %get3A_310] {strides = array<i32>} : memref<40x304xf32, #tpu.memory_space<vmem>>, vector<16xf32>,
        %add3A_312 = arith.addf %scan3A_246, %get3A_311 : vector<16xf32>
        %get3A_313 = arith.index_cast %scan3A_230 : i32 to index
        %get3A_314 = arith.constant 256 : index
        %get3A_315 = tpu.vector_load %arg8[%get3A_313, %get3A_314] {strides = array<i32>} : memref<40x304xf32, #tpu.memory_space<vmem>>, vector<16xf32>,
        %add3A_316 = arith.addf %scan3A_247, %get3A_315 : vector<16xf32>
        %get3A_317 = arith.index_cast %scan3A_230 : i32 to index
        %get3A_318 = arith.constant 272 : index
        %get3A_319 = tpu.vector_load %arg8[%get3A_317, %get3A_318] {strides = array<i32>} : memref<40x304xf32, #tpu.memory_space<vmem>>, vector<16xf32>,
        %add3A_320 = arith.addf %scan3A_248, %get3A_319 : vector<16xf32>
        %get3A_321 = arith.index_cast %scan3A_230 : i32 to index
        %get3A_322 = arith.constant 288 : index
        %get3A_323 = tpu.vector_load %arg8[%get3A_321, %get3A_322] {strides = array<i32>} : memref<40x304xf32, #tpu.memory_space<vmem>>, vector<16xf32>,
        %add3A_324 = arith.addf %scan3A_249, %get3A_323 : vector<16xf32>
        scf.yield %add3A_252, %add3A_256, %add3A_260, %add3A_264, %add3A_268, %add3A_272, %add3A_276, %add3A_280, %add3A_284, %add3A_288, %add3A_292, %add3A_296, %add3A_300, %add3A_304, %add3A_308, %add3A_312, %add3A_316, %add3A_320, %add3A_324 : vector<16xf32>, vector<16xf32>, vector<16xf32>, vector<16xf32>, vector<16xf32>, vector<16xf32>, vector<16xf32>, vector<16xf32>, vector<16xf32>, vector<16xf32>, vector<16xf32>, vector<16xf32>, vector<16xf32>, vector<16xf32>, vector<16xf32>, vector<16xf32>, vector<16xf32>, vector<16xf32>, vector<16xf32>
      }
      %scan3A_128 = arith.constant 40 : i32
      %add3A_129 = arith.constant 1 : i32
      %add3A_130 = arith.addi %add3A_45, %add3A_129 : i32
      %lt3A_131 = arith.constant 32 : i32
      %lt3A_132 = arith.cmpi slt, %add3A_130, %lt3A_131 : i32
      %convert_element_type3A_133 = arith.extui %lt3A_132 : i1 to i32
      %cond3A_134 = arith.constant 0 : i32
      %cond3A_135 = arith.cmpi ne, %convert_element_type3A_133, %cond3A_134 : i32
      scf.if %cond3A_135 {
        %add3A_230 = arith.constant 1 : i32
        %add3A_231 = arith.addi %add3A_45, %add3A_230 : i32
        %dma_start3A_232 = arith.constant 80 : i32
        %dma_start3A_233 = tpu.memref_slice %arg5[%add3A_231, %dma_start3A_232] : memref<32x200xi32, #tpu.memory_space<vmem>> -> memref<1x40xi32, #tpu.memory_space<vmem>>
        %dma_start3A_234 = tpu.memref_squeeze %dma_start3A_233 : memref<1x40xi32, #tpu.memory_space<vmem>> -> memref<40xi32, #tpu.memory_space<vmem>>
        %dma_start3A_235 = arith.constant 0 : i32
        %dma_start3A_236 = arith.constant 0 : i32
        %dma_start3A_237 = tpu.memref_slice %arg3[%dma_start3A_235, %dma_start3A_236] : memref<100000x304xf32, #tpu.memory_space<hbm>> -> memref<100000x304xf32, #tpu.memory_space<hbm>>
        tpu.enqueue_indirect_dma source(%dma_start3A_237 : memref<100000x304xf32, #tpu.memory_space<hbm>>) target(%arg8 : memref<40x304xf32, #tpu.memory_space<vmem>>) offsets(%dma_start3A_234 : memref<40xi32, #tpu.memory_space<vmem>>) semaphore(%arg14 : memref<!tpu.dma_semaphore, #tpu.memory_space<semaphore_mem>>)
      } else {
      }
      %dma_wait3A_136 = arith.constant 120 : i32
      %dma_wait3A_137 = tpu.memref_slice %arg5[%add3A_45, %dma_wait3A_136] : memref<32x200xi32, #tpu.memory_space<vmem>> -> memref<1x40xi32, #tpu.memory_space<vmem>>
      %dma_wait3A_138 = tpu.memref_squeeze %dma_wait3A_137 : memref<1x40xi32, #tpu.memory_space<vmem>> -> memref<40xi32, #tpu.memory_space<vmem>>
      %dma_wait3A_139 = arith.constant 0 : i32
      %dma_wait3A_140 = arith.constant 0 : i32
      %dma_wait3A_141 = tpu.memref_slice %arg3[%dma_wait3A_139, %dma_wait3A_140] : memref<100000x304xf32, #tpu.memory_space<hbm>> -> memref<100000x304xf32, #tpu.memory_space<hbm>>
      tpu.wait_indirect_dma semaphore(%arg15 : memref<!tpu.dma_semaphore, #tpu.memory_space<semaphore_mem>>) src(%dma_wait3A_141 : memref<100000x304xf32, #tpu.memory_space<hbm>>) dst(%arg9 : memref<40x304xf32, #tpu.memory_space<vmem>>)
      %scan3A_142 = arith.constant 0 : i32
      %scan3A_143 = arith.constant 40 : i32
      %scan3A_144 = arith.addi %scan3A_142, %scan3A_143 : i32
      %scan3A_145 = arith.constant 1 : i32
      %scan3A_146:19 = scf.for %scan3A_230 = %scan3A_142 to %scan3A_144 step %scan3A_145 iter_args(%scan3A_231 = %scan3A_127#0, %scan3A_232 = %scan3A_127#1, %scan3A_233 = %scan3A_127#2, %scan3A_234 = %scan3A_127#3, %scan3A_235 = %scan3A_127#4, %scan3A_236 = %scan3A_127#5, %scan3A_237 = %scan3A_127#6, %scan3A_238 = %scan3A_127#7, %scan3A_239 = %scan3A_127#8, %scan3A_240 = %scan3A_127#9, %scan3A_241 = %scan3A_127#10, %scan3A_242 = %scan3A_127#11, %scan3A_243 = %scan3A_127#12, %scan3A_244 = %scan3A_127#13, %scan3A_245 = %scan3A_127#14, %scan3A_246 = %scan3A_127#15, %scan3A_247 = %scan3A_127#16, %scan3A_248 = %scan3A_127#17, %scan3A_249 = %scan3A_127#18) -> (vector<16xf32>, vector<16xf32>, vector<16xf32>, vector<16xf32>, vector<16xf32>, vector<16xf32>, vector<16xf32>, vector<16xf32>, vector<16xf32>, vector<16xf32>, vector<16xf32>, vector<16xf32>, vector<16xf32>, vector<16xf32>, vector<16xf32>, vector<16xf32>, vector<16xf32>, vector<16xf32>, vector<16xf32>)  : i32 {
        %get3A = arith.index_cast %scan3A_230 : i32 to index
        %get3A_250 = arith.constant 0 : index
        %get3A_251 = tpu.vector_load %arg9[%get3A, %get3A_250] {strides = array<i32>} : memref<40x304xf32, #tpu.memory_space<vmem>>, vector<16xf32>,
        %add3A_252 = arith.addf %scan3A_231, %get3A_251 : vector<16xf32>
        %get3A_253 = arith.index_cast %scan3A_230 : i32 to index
        %get3A_254 = arith.constant 16 : index
        %get3A_255 = tpu.vector_load %arg9[%get3A_253, %get3A_254] {strides = array<i32>} : memref<40x304xf32, #tpu.memory_space<vmem>>, vector<16xf32>,
        %add3A_256 = arith.addf %scan3A_232, %get3A_255 : vector<16xf32>
        %get3A_257 = arith.index_cast %scan3A_230 : i32 to index
        %get3A_258 = arith.constant 32 : index
        %get3A_259 = tpu.vector_load %arg9[%get3A_257, %get3A_258] {strides = array<i32>} : memref<40x304xf32, #tpu.memory_space<vmem>>, vector<16xf32>,
        %add3A_260 = arith.addf %scan3A_233, %get3A_259 : vector<16xf32>
        %get3A_261 = arith.index_cast %scan3A_230 : i32 to index
        %get3A_262 = arith.constant 48 : index
        %get3A_263 = tpu.vector_load %arg9[%get3A_261, %get3A_262] {strides = array<i32>} : memref<40x304xf32, #tpu.memory_space<vmem>>, vector<16xf32>,
        %add3A_264 = arith.addf %scan3A_234, %get3A_263 : vector<16xf32>
        %get3A_265 = arith.index_cast %scan3A_230 : i32 to index
        %get3A_266 = arith.constant 64 : index
        %get3A_267 = tpu.vector_load %arg9[%get3A_265, %get3A_266] {strides = array<i32>} : memref<40x304xf32, #tpu.memory_space<vmem>>, vector<16xf32>,
        %add3A_268 = arith.addf %scan3A_235, %get3A_267 : vector<16xf32>
        %get3A_269 = arith.index_cast %scan3A_230 : i32 to index
        %get3A_270 = arith.constant 80 : index
        %get3A_271 = tpu.vector_load %arg9[%get3A_269, %get3A_270] {strides = array<i32>} : memref<40x304xf32, #tpu.memory_space<vmem>>, vector<16xf32>,
        %add3A_272 = arith.addf %scan3A_236, %get3A_271 : vector<16xf32>
        %get3A_273 = arith.index_cast %scan3A_230 : i32 to index
        %get3A_274 = arith.constant 96 : index
        %get3A_275 = tpu.vector_load %arg9[%get3A_273, %get3A_274] {strides = array<i32>} : memref<40x304xf32, #tpu.memory_space<vmem>>, vector<16xf32>,
        %add3A_276 = arith.addf %scan3A_237, %get3A_275 : vector<16xf32>
        %get3A_277 = arith.index_cast %scan3A_230 : i32 to index
        %get3A_278 = arith.constant 112 : index
        %get3A_279 = tpu.vector_load %arg9[%get3A_277, %get3A_278] {strides = array<i32>} : memref<40x304xf32, #tpu.memory_space<vmem>>, vector<16xf32>,
        %add3A_280 = arith.addf %scan3A_238, %get3A_279 : vector<16xf32>
        %get3A_281 = arith.index_cast %scan3A_230 : i32 to index
        %get3A_282 = arith.constant 128 : index
        %get3A_283 = tpu.vector_load %arg9[%get3A_281, %get3A_282] {strides = array<i32>} : memref<40x304xf32, #tpu.memory_space<vmem>>, vector<16xf32>,
        %add3A_284 = arith.addf %scan3A_239, %get3A_283 : vector<16xf32>
        %get3A_285 = arith.index_cast %scan3A_230 : i32 to index
        %get3A_286 = arith.constant 144 : index
        %get3A_287 = tpu.vector_load %arg9[%get3A_285, %get3A_286] {strides = array<i32>} : memref<40x304xf32, #tpu.memory_space<vmem>>, vector<16xf32>,
        %add3A_288 = arith.addf %scan3A_240, %get3A_287 : vector<16xf32>
        %get3A_289 = arith.index_cast %scan3A_230 : i32 to index
        %get3A_290 = arith.constant 160 : index
        %get3A_291 = tpu.vector_load %arg9[%get3A_289, %get3A_290] {strides = array<i32>} : memref<40x304xf32, #tpu.memory_space<vmem>>, vector<16xf32>,
        %add3A_292 = arith.addf %scan3A_241, %get3A_291 : vector<16xf32>
        %get3A_293 = arith.index_cast %scan3A_230 : i32 to index
        %get3A_294 = arith.constant 176 : index
        %get3A_295 = tpu.vector_load %arg9[%get3A_293, %get3A_294] {strides = array<i32>} : memref<40x304xf32, #tpu.memory_space<vmem>>, vector<16xf32>,
        %add3A_296 = arith.addf %scan3A_242, %get3A_295 : vector<16xf32>
        %get3A_297 = arith.index_cast %scan3A_230 : i32 to index
        %get3A_298 = arith.constant 192 : index
        %get3A_299 = tpu.vector_load %arg9[%get3A_297, %get3A_298] {strides = array<i32>} : memref<40x304xf32, #tpu.memory_space<vmem>>, vector<16xf32>,
        %add3A_300 = arith.addf %scan3A_243, %get3A_299 : vector<16xf32>
        %get3A_301 = arith.index_cast %scan3A_230 : i32 to index
        %get3A_302 = arith.constant 208 : index
        %get3A_303 = tpu.vector_load %arg9[%get3A_301, %get3A_302] {strides = array<i32>} : memref<40x304xf32, #tpu.memory_space<vmem>>, vector<16xf32>,
        %add3A_304 = arith.addf %scan3A_244, %get3A_303 : vector<16xf32>
        %get3A_305 = arith.index_cast %scan3A_230 : i32 to index
        %get3A_306 = arith.constant 224 : index
        %get3A_307 = tpu.vector_load %arg9[%get3A_305, %get3A_306] {strides = array<i32>} : memref<40x304xf32, #tpu.memory_space<vmem>>, vector<16xf32>,
        %add3A_308 = arith.addf %scan3A_245, %get3A_307 : vector<16xf32>
        %get3A_309 = arith.index_cast %scan3A_230 : i32 to index
        %get3A_310 = arith.constant 240 : index
        %get3A_311 = tpu.vector_load %arg9[%get3A_309, %get3A_310] {strides = array<i32>} : memref<40x304xf32, #tpu.memory_space<vmem>>, vector<16xf32>,
        %add3A_312 = arith.addf %scan3A_246, %get3A_311 : vector<16xf32>
        %get3A_313 = arith.index_cast %scan3A_230 : i32 to index
        %get3A_314 = arith.constant 256 : index
        %get3A_315 = tpu.vector_load %arg9[%get3A_313, %get3A_314] {strides = array<i32>} : memref<40x304xf32, #tpu.memory_space<vmem>>, vector<16xf32>,
        %add3A_316 = arith.addf %scan3A_247, %get3A_315 : vector<16xf32>
        %get3A_317 = arith.index_cast %scan3A_230 : i32 to index
        %get3A_318 = arith.constant 272 : index
        %get3A_319 = tpu.vector_load %arg9[%get3A_317, %get3A_318] {strides = array<i32>} : memref<40x304xf32, #tpu.memory_space<vmem>>, vector<16xf32>,
        %add3A_320 = arith.addf %scan3A_248, %get3A_319 : vector<16xf32>
        %get3A_321 = arith.index_cast %scan3A_230 : i32 to index
        %get3A_322 = arith.constant 288 : index
        %get3A_323 = tpu.vector_load %arg9[%get3A_321, %get3A_322] {strides = array<i32>} : memref<40x304xf32, #tpu.memory_space<vmem>>, vector<16xf32>,
        %add3A_324 = arith.addf %scan3A_249, %get3A_323 : vector<16xf32>
        scf.yield %add3A_252, %add3A_256, %add3A_260, %add3A_264, %add3A_268, %add3A_272, %add3A_276, %add3A_280, %add3A_284, %add3A_288, %add3A_292, %add3A_296, %add3A_300, %add3A_304, %add3A_308, %add3A_312, %add3A_316, %add3A_320, %add3A_324 : vector<16xf32>, vector<16xf32>, vector<16xf32>, vector<16xf32>, vector<16xf32>, vector<16xf32>, vector<16xf32>, vector<16xf32>, vector<16xf32>, vector<16xf32>, vector<16xf32>, vector<16xf32>, vector<16xf32>, vector<16xf32>, vector<16xf32>, vector<16xf32>, vector<16xf32>, vector<16xf32>, vector<16xf32>
      }
      %scan3A_147 = arith.constant 40 : i32
      %add3A_148 = arith.constant 1 : i32
      %add3A_149 = arith.addi %add3A_45, %add3A_148 : i32
      %lt3A_150 = arith.constant 32 : i32
      %lt3A_151 = arith.cmpi slt, %add3A_149, %lt3A_150 : i32
      %convert_element_type3A_152 = arith.extui %lt3A_151 : i1 to i32
      %cond3A_153 = arith.constant 0 : i32
      %cond3A_154 = arith.cmpi ne, %convert_element_type3A_152, %cond3A_153 : i32
      scf.if %cond3A_154 {
        %add3A_230 = arith.constant 1 : i32
        %add3A_231 = arith.addi %add3A_45, %add3A_230 : i32
        %dma_start3A_232 = arith.constant 120 : i32
        %dma_start3A_233 = tpu.memref_slice %arg5[%add3A_231, %dma_start3A_232] : memref<32x200xi32, #tpu.memory_space<vmem>> -> memref<1x40xi32, #tpu.memory_space<vmem>>
        %dma_start3A_234 = tpu.memref_squeeze %dma_start3A_233 : memref<1x40xi32, #tpu.memory_space<vmem>> -> memref<40xi32, #tpu.memory_space<vmem>>
        %dma_start3A_235 = arith.constant 0 : i32
        %dma_start3A_236 = arith.constant 0 : i32
        %dma_start3A_237 = tpu.memref_slice %arg3[%dma_start3A_235, %dma_start3A_236] : memref<100000x304xf32, #tpu.memory_space<hbm>> -> memref<100000x304xf32, #tpu.memory_space<hbm>>
        tpu.enqueue_indirect_dma source(%dma_start3A_237 : memref<100000x304xf32, #tpu.memory_space<hbm>>) target(%arg9 : memref<40x304xf32, #tpu.memory_space<vmem>>) offsets(%dma_start3A_234 : memref<40xi32, #tpu.memory_space<vmem>>) semaphore(%arg15 : memref<!tpu.dma_semaphore, #tpu.memory_space<semaphore_mem>>)
      } else {
      }
      %dma_wait3A_155 = arith.constant 160 : i32
      %dma_wait3A_156 = tpu.memref_slice %arg5[%add3A_45, %dma_wait3A_155] : memref<32x200xi32, #tpu.memory_space<vmem>> -> memref<1x40xi32, #tpu.memory_space<vmem>>
      %dma_wait3A_157 = tpu.memref_squeeze %dma_wait3A_156 : memref<1x40xi32, #tpu.memory_space<vmem>> -> memref<40xi32, #tpu.memory_space<vmem>>
      %dma_wait3A_158 = arith.constant 0 : i32
      %dma_wait3A_159 = arith.constant 0 : i32
      %dma_wait3A_160 = tpu.memref_slice %arg3[%dma_wait3A_158, %dma_wait3A_159] : memref<100000x304xf32, #tpu.memory_space<hbm>> -> memref<100000x304xf32, #tpu.memory_space<hbm>>
      tpu.wait_indirect_dma semaphore(%arg16 : memref<!tpu.dma_semaphore, #tpu.memory_space<semaphore_mem>>) src(%dma_wait3A_160 : memref<100000x304xf32, #tpu.memory_space<hbm>>) dst(%arg10 : memref<40x304xf32, #tpu.memory_space<vmem>>)
      %scan3A_161 = arith.constant 0 : i32
      %scan3A_162 = arith.constant 40 : i32
      %scan3A_163 = arith.addi %scan3A_161, %scan3A_162 : i32
      %scan3A_164 = arith.constant 1 : i32
      %scan3A_165:19 = scf.for %scan3A_230 = %scan3A_161 to %scan3A_163 step %scan3A_164 iter_args(%scan3A_231 = %scan3A_146#0, %scan3A_232 = %scan3A_146#1, %scan3A_233 = %scan3A_146#2, %scan3A_234 = %scan3A_146#3, %scan3A_235 = %scan3A_146#4, %scan3A_236 = %scan3A_146#5, %scan3A_237 = %scan3A_146#6, %scan3A_238 = %scan3A_146#7, %scan3A_239 = %scan3A_146#8, %scan3A_240 = %scan3A_146#9, %scan3A_241 = %scan3A_146#10, %scan3A_242 = %scan3A_146#11, %scan3A_243 = %scan3A_146#12, %scan3A_244 = %scan3A_146#13, %scan3A_245 = %scan3A_146#14, %scan3A_246 = %scan3A_146#15, %scan3A_247 = %scan3A_146#16, %scan3A_248 = %scan3A_146#17, %scan3A_249 = %scan3A_146#18) -> (vector<16xf32>, vector<16xf32>, vector<16xf32>, vector<16xf32>, vector<16xf32>, vector<16xf32>, vector<16xf32>, vector<16xf32>, vector<16xf32>, vector<16xf32>, vector<16xf32>, vector<16xf32>, vector<16xf32>, vector<16xf32>, vector<16xf32>, vector<16xf32>, vector<16xf32>, vector<16xf32>, vector<16xf32>)  : i32 {
        %get3A = arith.index_cast %scan3A_230 : i32 to index
        %get3A_250 = arith.constant 0 : index
        %get3A_251 = tpu.vector_load %arg10[%get3A, %get3A_250] {strides = array<i32>} : memref<40x304xf32, #tpu.memory_space<vmem>>, vector<16xf32>,
        %add3A_252 = arith.addf %scan3A_231, %get3A_251 : vector<16xf32>
        %get3A_253 = arith.index_cast %scan3A_230 : i32 to index
        %get3A_254 = arith.constant 16 : index
        %get3A_255 = tpu.vector_load %arg10[%get3A_253, %get3A_254] {strides = array<i32>} : memref<40x304xf32, #tpu.memory_space<vmem>>, vector<16xf32>,
        %add3A_256 = arith.addf %scan3A_232, %get3A_255 : vector<16xf32>
        %get3A_257 = arith.index_cast %scan3A_230 : i32 to index
        %get3A_258 = arith.constant 32 : index
        %get3A_259 = tpu.vector_load %arg10[%get3A_257, %get3A_258] {strides = array<i32>} : memref<40x304xf32, #tpu.memory_space<vmem>>, vector<16xf32>,
        %add3A_260 = arith.addf %scan3A_233, %get3A_259 : vector<16xf32>
        %get3A_261 = arith.index_cast %scan3A_230 : i32 to index
        %get3A_262 = arith.constant 48 : index
        %get3A_263 = tpu.vector_load %arg10[%get3A_261, %get3A_262] {strides = array<i32>} : memref<40x304xf32, #tpu.memory_space<vmem>>, vector<16xf32>,
        %add3A_264 = arith.addf %scan3A_234, %get3A_263 : vector<16xf32>
        %get3A_265 = arith.index_cast %scan3A_230 : i32 to index
        %get3A_266 = arith.constant 64 : index
        %get3A_267 = tpu.vector_load %arg10[%get3A_265, %get3A_266] {strides = array<i32>} : memref<40x304xf32, #tpu.memory_space<vmem>>, vector<16xf32>,
        %add3A_268 = arith.addf %scan3A_235, %get3A_267 : vector<16xf32>
        %get3A_269 = arith.index_cast %scan3A_230 : i32 to index
        %get3A_270 = arith.constant 80 : index
        %get3A_271 = tpu.vector_load %arg10[%get3A_269, %get3A_270] {strides = array<i32>} : memref<40x304xf32, #tpu.memory_space<vmem>>, vector<16xf32>,
        %add3A_272 = arith.addf %scan3A_236, %get3A_271 : vector<16xf32>
        %get3A_273 = arith.index_cast %scan3A_230 : i32 to index
        %get3A_274 = arith.constant 96 : index
        %get3A_275 = tpu.vector_load %arg10[%get3A_273, %get3A_274] {strides = array<i32>} : memref<40x304xf32, #tpu.memory_space<vmem>>, vector<16xf32>,
        %add3A_276 = arith.addf %scan3A_237, %get3A_275 : vector<16xf32>
        %get3A_277 = arith.index_cast %scan3A_230 : i32 to index
        %get3A_278 = arith.constant 112 : index
        %get3A_279 = tpu.vector_load %arg10[%get3A_277, %get3A_278] {strides = array<i32>} : memref<40x304xf32, #tpu.memory_space<vmem>>, vector<16xf32>,
        %add3A_280 = arith.addf %scan3A_238, %get3A_279 : vector<16xf32>
        %get3A_281 = arith.index_cast %scan3A_230 : i32 to index
        %get3A_282 = arith.constant 128 : index
        %get3A_283 = tpu.vector_load %arg10[%get3A_281, %get3A_282] {strides = array<i32>} : memref<40x304xf32, #tpu.memory_space<vmem>>, vector<16xf32>,
        %add3A_284 = arith.addf %scan3A_239, %get3A_283 : vector<16xf32>
        %get3A_285 = arith.index_cast %scan3A_230 : i32 to index
        %get3A_286 = arith.constant 144 : index
        %get3A_287 = tpu.vector_load %arg10[%get3A_285, %get3A_286] {strides = array<i32>} : memref<40x304xf32, #tpu.memory_space<vmem>>, vector<16xf32>,
        %add3A_288 = arith.addf %scan3A_240, %get3A_287 : vector<16xf32>
        %get3A_289 = arith.index_cast %scan3A_230 : i32 to index
        %get3A_290 = arith.constant 160 : index
        %get3A_291 = tpu.vector_load %arg10[%get3A_289, %get3A_290] {strides = array<i32>} : memref<40x304xf32, #tpu.memory_space<vmem>>, vector<16xf32>,
        %add3A_292 = arith.addf %scan3A_241, %get3A_291 : vector<16xf32>
        %get3A_293 = arith.index_cast %scan3A_230 : i32 to index
        %get3A_294 = arith.constant 176 : index
        %get3A_295 = tpu.vector_load %arg10[%get3A_293, %get3A_294] {strides = array<i32>} : memref<40x304xf32, #tpu.memory_space<vmem>>, vector<16xf32>,
        %add3A_296 = arith.addf %scan3A_242, %get3A_295 : vector<16xf32>
        %get3A_297 = arith.index_cast %scan3A_230 : i32 to index
        %get3A_298 = arith.constant 192 : index
        %get3A_299 = tpu.vector_load %arg10[%get3A_297, %get3A_298] {strides = array<i32>} : memref<40x304xf32, #tpu.memory_space<vmem>>, vector<16xf32>,
        %add3A_300 = arith.addf %scan3A_243, %get3A_299 : vector<16xf32>
        %get3A_301 = arith.index_cast %scan3A_230 : i32 to index
        %get3A_302 = arith.constant 208 : index
        %get3A_303 = tpu.vector_load %arg10[%get3A_301, %get3A_302] {strides = array<i32>} : memref<40x304xf32, #tpu.memory_space<vmem>>, vector<16xf32>,
        %add3A_304 = arith.addf %scan3A_244, %get3A_303 : vector<16xf32>
        %get3A_305 = arith.index_cast %scan3A_230 : i32 to index
        %get3A_306 = arith.constant 224 : index
        %get3A_307 = tpu.vector_load %arg10[%get3A_305, %get3A_306] {strides = array<i32>} : memref<40x304xf32, #tpu.memory_space<vmem>>, vector<16xf32>,
        %add3A_308 = arith.addf %scan3A_245, %get3A_307 : vector<16xf32>
        %get3A_309 = arith.index_cast %scan3A_230 : i32 to index
        %get3A_310 = arith.constant 240 : index
        %get3A_311 = tpu.vector_load %arg10[%get3A_309, %get3A_310] {strides = array<i32>} : memref<40x304xf32, #tpu.memory_space<vmem>>, vector<16xf32>,
        %add3A_312 = arith.addf %scan3A_246, %get3A_311 : vector<16xf32>
        %get3A_313 = arith.index_cast %scan3A_230 : i32 to index
        %get3A_314 = arith.constant 256 : index
        %get3A_315 = tpu.vector_load %arg10[%get3A_313, %get3A_314] {strides = array<i32>} : memref<40x304xf32, #tpu.memory_space<vmem>>, vector<16xf32>,
        %add3A_316 = arith.addf %scan3A_247, %get3A_315 : vector<16xf32>
        %get3A_317 = arith.index_cast %scan3A_230 : i32 to index
        %get3A_318 = arith.constant 272 : index
        %get3A_319 = tpu.vector_load %arg10[%get3A_317, %get3A_318] {strides = array<i32>} : memref<40x304xf32, #tpu.memory_space<vmem>>, vector<16xf32>,
        %add3A_320 = arith.addf %scan3A_248, %get3A_319 : vector<16xf32>
        %get3A_321 = arith.index_cast %scan3A_230 : i32 to index
        %get3A_322 = arith.constant 288 : index
        %get3A_323 = tpu.vector_load %arg10[%get3A_321, %get3A_322] {strides = array<i32>} : memref<40x304xf32, #tpu.memory_space<vmem>>, vector<16xf32>,
        %add3A_324 = arith.addf %scan3A_249, %get3A_323 : vector<16xf32>
        scf.yield %add3A_252, %add3A_256, %add3A_260, %add3A_264, %add3A_268, %add3A_272, %add3A_276, %add3A_280, %add3A_284, %add3A_288, %add3A_292, %add3A_296, %add3A_300, %add3A_304, %add3A_308, %add3A_312, %add3A_316, %add3A_320, %add3A_324 : vector<16xf32>, vector<16xf32>, vector<16xf32>, vector<16xf32>, vector<16xf32>, vector<16xf32>, vector<16xf32>, vector<16xf32>, vector<16xf32>, vector<16xf32>, vector<16xf32>, vector<16xf32>, vector<16xf32>, vector<16xf32>, vector<16xf32>, vector<16xf32>, vector<16xf32>, vector<16xf32>, vector<16xf32>
      }
      %scan3A_166 = arith.constant 40 : i32
      %add3A_167 = arith.constant 1 : i32
      %add3A_168 = arith.addi %add3A_45, %add3A_167 : i32
      %lt3A_169 = arith.constant 32 : i32
      %lt3A_170 = arith.cmpi slt, %add3A_168, %lt3A_169 : i32
      %convert_element_type3A_171 = arith.extui %lt3A_170 : i1 to i32
      %cond3A_172 = arith.constant 0 : i32
      %cond3A_173 = arith.cmpi ne, %convert_element_type3A_171, %cond3A_172 : i32
      scf.if %cond3A_173 {
        %add3A_230 = arith.constant 1 : i32
        %add3A_231 = arith.addi %add3A_45, %add3A_230 : i32
        %dma_start3A_232 = arith.constant 160 : i32
        %dma_start3A_233 = tpu.memref_slice %arg5[%add3A_231, %dma_start3A_232] : memref<32x200xi32, #tpu.memory_space<vmem>> -> memref<1x40xi32, #tpu.memory_space<vmem>>
        %dma_start3A_234 = tpu.memref_squeeze %dma_start3A_233 : memref<1x40xi32, #tpu.memory_space<vmem>> -> memref<40xi32, #tpu.memory_space<vmem>>
        %dma_start3A_235 = arith.constant 0 : i32
        %dma_start3A_236 = arith.constant 0 : i32
        %dma_start3A_237 = tpu.memref_slice %arg3[%dma_start3A_235, %dma_start3A_236] : memref<100000x304xf32, #tpu.memory_space<hbm>> -> memref<100000x304xf32, #tpu.memory_space<hbm>>
        tpu.enqueue_indirect_dma source(%dma_start3A_237 : memref<100000x304xf32, #tpu.memory_space<hbm>>) target(%arg10 : memref<40x304xf32, #tpu.memory_space<vmem>>) offsets(%dma_start3A_234 : memref<40xi32, #tpu.memory_space<vmem>>) semaphore(%arg16 : memref<!tpu.dma_semaphore, #tpu.memory_space<semaphore_mem>>)
      } else {
      }
      %swap3A = arith.index_cast %add3A_45 : i32 to index
      %swap3A_174 = arith.constant 0 : index
      %swap3A_175 = tpu.vector_load %arg11[%swap3A, %swap3A_174] {strides = array<i32>} : memref<32x304xf32, #tpu.memory_space<vmem>>, vector<16xf32>,
      tpu.vector_store %arg11[%swap3A, %swap3A_174], %scan3A_165#0 {strides = array<i32>} : memref<32x304xf32, #tpu.memory_space<vmem>>, vector<16xf32>,
      %swap3A_176 = arith.index_cast %add3A_45 : i32 to index
      %swap3A_177 = arith.constant 16 : index
      %swap3A_178 = tpu.vector_load %arg11[%swap3A_176, %swap3A_177] {strides = array<i32>} : memref<32x304xf32, #tpu.memory_space<vmem>>, vector<16xf32>,
      tpu.vector_store %arg11[%swap3A_176, %swap3A_177], %scan3A_165#1 {strides = array<i32>} : memref<32x304xf32, #tpu.memory_space<vmem>>, vector<16xf32>,
      %swap3A_179 = arith.index_cast %add3A_45 : i32 to index
      %swap3A_180 = arith.constant 32 : index
      %swap3A_181 = tpu.vector_load %arg11[%swap3A_179, %swap3A_180] {strides = array<i32>} : memref<32x304xf32, #tpu.memory_space<vmem>>, vector<16xf32>,
      tpu.vector_store %arg11[%swap3A_179, %swap3A_180], %scan3A_165#2 {strides = array<i32>} : memref<32x304xf32, #tpu.memory_space<vmem>>, vector<16xf32>,
      %swap3A_182 = arith.index_cast %add3A_45 : i32 to index
      %swap3A_183 = arith.constant 48 : index
      %swap3A_184 = tpu.vector_load %arg11[%swap3A_182, %swap3A_183] {strides = array<i32>} : memref<32x304xf32, #tpu.memory_space<vmem>>, vector<16xf32>,
      tpu.vector_store %arg11[%swap3A_182, %swap3A_183], %scan3A_165#3 {strides = array<i32>} : memref<32x304xf32, #tpu.memory_space<vmem>>, vector<16xf32>,
      %swap3A_185 = arith.index_cast %add3A_45 : i32 to index
      %swap3A_186 = arith.constant 64 : index
      %swap3A_187 = tpu.vector_load %arg11[%swap3A_185, %swap3A_186] {strides = array<i32>} : memref<32x304xf32, #tpu.memory_space<vmem>>, vector<16xf32>,
      tpu.vector_store %arg11[%swap3A_185, %swap3A_186], %scan3A_165#4 {strides = array<i32>} : memref<32x304xf32, #tpu.memory_space<vmem>>, vector<16xf32>,
      %swap3A_188 = arith.index_cast %add3A_45 : i32 to index
      %swap3A_189 = arith.constant 80 : index
      %swap3A_190 = tpu.vector_load %arg11[%swap3A_188, %swap3A_189] {strides = array<i32>} : memref<32x304xf32, #tpu.memory_space<vmem>>, vector<16xf32>,
      tpu.vector_store %arg11[%swap3A_188, %swap3A_189], %scan3A_165#5 {strides = array<i32>} : memref<32x304xf32, #tpu.memory_space<vmem>>, vector<16xf32>,
      %swap3A_191 = arith.index_cast %add3A_45 : i32 to index
      %swap3A_192 = arith.constant 96 : index
      %swap3A_193 = tpu.vector_load %arg11[%swap3A_191, %swap3A_192] {strides = array<i32>} : memref<32x304xf32, #tpu.memory_space<vmem>>, vector<16xf32>,
      tpu.vector_store %arg11[%swap3A_191, %swap3A_192], %scan3A_165#6 {strides = array<i32>} : memref<32x304xf32, #tpu.memory_space<vmem>>, vector<16xf32>,
      %swap3A_194 = arith.index_cast %add3A_45 : i32 to index
      %swap3A_195 = arith.constant 112 : index
      %swap3A_196 = tpu.vector_load %arg11[%swap3A_194, %swap3A_195] {strides = array<i32>} : memref<32x304xf32, #tpu.memory_space<vmem>>, vector<16xf32>,
      tpu.vector_store %arg11[%swap3A_194, %swap3A_195], %scan3A_165#7 {strides = array<i32>} : memref<32x304xf32, #tpu.memory_space<vmem>>, vector<16xf32>,
      %swap3A_197 = arith.index_cast %add3A_45 : i32 to index
      %swap3A_198 = arith.constant 128 : index
      %swap3A_199 = tpu.vector_load %arg11[%swap3A_197, %swap3A_198] {strides = array<i32>} : memref<32x304xf32, #tpu.memory_space<vmem>>, vector<16xf32>,
      tpu.vector_store %arg11[%swap3A_197, %swap3A_198], %scan3A_165#8 {strides = array<i32>} : memref<32x304xf32, #tpu.memory_space<vmem>>, vector<16xf32>,
      %swap3A_200 = arith.index_cast %add3A_45 : i32 to index
      %swap3A_201 = arith.constant 144 : index
      %swap3A_202 = tpu.vector_load %arg11[%swap3A_200, %swap3A_201] {strides = array<i32>} : memref<32x304xf32, #tpu.memory_space<vmem>>, vector<16xf32>,
      tpu.vector_store %arg11[%swap3A_200, %swap3A_201], %scan3A_165#9 {strides = array<i32>} : memref<32x304xf32, #tpu.memory_space<vmem>>, vector<16xf32>,
      %swap3A_203 = arith.index_cast %add3A_45 : i32 to index
      %swap3A_204 = arith.constant 160 : index
      %swap3A_205 = tpu.vector_load %arg11[%swap3A_203, %swap3A_204] {strides = array<i32>} : memref<32x304xf32, #tpu.memory_space<vmem>>, vector<16xf32>,
      tpu.vector_store %arg11[%swap3A_203, %swap3A_204], %scan3A_165#10 {strides = array<i32>} : memref<32x304xf32, #tpu.memory_space<vmem>>, vector<16xf32>,
      %swap3A_206 = arith.index_cast %add3A_45 : i32 to index
      %swap3A_207 = arith.constant 176 : index
      %swap3A_208 = tpu.vector_load %arg11[%swap3A_206, %swap3A_207] {strides = array<i32>} : memref<32x304xf32, #tpu.memory_space<vmem>>, vector<16xf32>,
      tpu.vector_store %arg11[%swap3A_206, %swap3A_207], %scan3A_165#11 {strides = array<i32>} : memref<32x304xf32, #tpu.memory_space<vmem>>, vector<16xf32>,
      %swap3A_209 = arith.index_cast %add3A_45 : i32 to index
      %swap3A_210 = arith.constant 192 : index
      %swap3A_211 = tpu.vector_load %arg11[%swap3A_209, %swap3A_210] {strides = array<i32>} : memref<32x304xf32, #tpu.memory_space<vmem>>, vector<16xf32>,
      tpu.vector_store %arg11[%swap3A_209, %swap3A_210], %scan3A_165#12 {strides = array<i32>} : memref<32x304xf32, #tpu.memory_space<vmem>>, vector<16xf32>,
      %swap3A_212 = arith.index_cast %add3A_45 : i32 to index
      %swap3A_213 = arith.constant 208 : index
      %swap3A_214 = tpu.vector_load %arg11[%swap3A_212, %swap3A_213] {strides = array<i32>} : memref<32x304xf32, #tpu.memory_space<vmem>>, vector<16xf32>,
      tpu.vector_store %arg11[%swap3A_212, %swap3A_213], %scan3A_165#13 {strides = array<i32>} : memref<32x304xf32, #tpu.memory_space<vmem>>, vector<16xf32>,
      %swap3A_215 = arith.index_cast %add3A_45 : i32 to index
      %swap3A_216 = arith.constant 224 : index
      %swap3A_217 = tpu.vector_load %arg11[%swap3A_215, %swap3A_216] {strides = array<i32>} : memref<32x304xf32, #tpu.memory_space<vmem>>, vector<16xf32>,
      tpu.vector_store %arg11[%swap3A_215, %swap3A_216], %scan3A_165#14 {strides = array<i32>} : memref<32x304xf32, #tpu.memory_space<vmem>>, vector<16xf32>,
      %swap3A_218 = arith.index_cast %add3A_45 : i32 to index
      %swap3A_219 = arith.constant 240 : index
      %swap3A_220 = tpu.vector_load %arg11[%swap3A_218, %swap3A_219] {strides = array<i32>} : memref<32x304xf32, #tpu.memory_space<vmem>>, vector<16xf32>,
      tpu.vector_store %arg11[%swap3A_218, %swap3A_219], %scan3A_165#15 {strides = array<i32>} : memref<32x304xf32, #tpu.memory_space<vmem>>, vector<16xf32>,
      %swap3A_221 = arith.index_cast %add3A_45 : i32 to index
      %swap3A_222 = arith.constant 256 : index
      %swap3A_223 = tpu.vector_load %arg11[%swap3A_221, %swap3A_222] {strides = array<i32>} : memref<32x304xf32, #tpu.memory_space<vmem>>, vector<16xf32>,
      tpu.vector_store %arg11[%swap3A_221, %swap3A_222], %scan3A_165#16 {strides = array<i32>} : memref<32x304xf32, #tpu.memory_space<vmem>>, vector<16xf32>,
      %swap3A_224 = arith.index_cast %add3A_45 : i32 to index
      %swap3A_225 = arith.constant 272 : index
      %swap3A_226 = tpu.vector_load %arg11[%swap3A_224, %swap3A_225] {strides = array<i32>} : memref<32x304xf32, #tpu.memory_space<vmem>>, vector<16xf32>,
      tpu.vector_store %arg11[%swap3A_224, %swap3A_225], %scan3A_165#17 {strides = array<i32>} : memref<32x304xf32, #tpu.memory_space<vmem>>, vector<16xf32>,
      %swap3A_227 = arith.index_cast %add3A_45 : i32 to index
      %swap3A_228 = arith.constant 288 : index
      %swap3A_229 = tpu.vector_load %arg11[%swap3A_227, %swap3A_228] {strides = array<i32>} : memref<32x304xf32, #tpu.memory_space<vmem>>, vector<16xf32>,
      tpu.vector_store %arg11[%swap3A_227, %swap3A_228], %scan3A_165#18 {strides = array<i32>} : memref<32x304xf32, #tpu.memory_space<vmem>>, vector<16xf32>,
    }
    %scan3A_40 = arith.constant 32 : i32
    "tpu.region"() ({
      %run_scoped3A = tpu.sem_alloc : memref<!tpu.dma_semaphore, #tpu.memory_space<semaphore_mem>>
      %dma_start3A_41 = arith.constant 0 : i32
      %dma_start3A_42 = tpu.memref_slice %arg4[%mul3A_2, %dma_start3A_41] : memref<1024x304xf32, #tpu.memory_space<hbm>> -> memref<32x304xf32, #tpu.memory_space<hbm>>
      %dma_start3A_43 = arith.constant 0 : i32
      %dma_start3A_44 = tpu.memref_slice %arg4[%mul3A_2, %dma_start3A_43] : memref<1024x304xf32, #tpu.memory_space<hbm>> -> memref<32x304xf32, #tpu.memory_space<hbm>>
      tpu.enqueue_dma source(%arg11 : memref<32x304xf32, #tpu.memory_space<vmem>>) target(%dma_start3A_44 : memref<32x304xf32, #tpu.memory_space<hbm>>) target_semaphore(%run_scoped3A : memref<!tpu.dma_semaphore, #tpu.memory_space<semaphore_mem>>)
      %dma_wait3A = arith.constant 0 : i32
      %dma_wait3A_45 = tpu.memref_slice %arg4[%mul3A_2, %dma_wait3A] : memref<1024x304xf32, #tpu.memory_space<hbm>> -> memref<32x304xf32, #tpu.memory_space<hbm>>
      %dma_wait3A_46 = arith.constant 0 : i32
      %dma_wait3A_47 = tpu.memref_slice %arg4[%mul3A_2, %dma_wait3A_46] : memref<1024x304xf32, #tpu.memory_space<hbm>> -> memref<32x304xf32, #tpu.memory_space<hbm>>
      tpu.wait_dma2 semaphore(%run_scoped3A : memref<!tpu.dma_semaphore, #tpu.memory_space<semaphore_mem>>) src(%arg11 : memref<32x304xf32, #tpu.memory_space<vmem>>) dst(%dma_wait3A_47 : memref<32x304xf32, #tpu.memory_space<hbm>>)
      tpu.yield
    }) : () -> ()
    return
  }
}

module attributes {stable_mosaic.version = 14 : i64} {
  func.func @_pad_body(%arg0: i32, %arg1: memref<4000x300xf32, #tpu.memory_space<vmem>>, %arg2: memref<4000x304xf32, #tpu.memory_space<vmem>>) attributes {dimension_semantics = [#tpu.dimension_semantics<arbitrary>], iteration_bounds = array<i64: 25>, scalar_prefetch = 0 : i64, scratch_operands = 0 : i64, tpu.core_type = #tpu.core_type<tc>, window_params = [{transform_indices = @transform_0, window_bounds = array<i64: 4000, 300>}, {transform_indices = @transform_1, window_bounds = array<i64: 4000, 304>}]} {
    %get3A = arith.constant 0 : index
    %get3A_0 = arith.constant 0 : index
    %get3A_1 = vector.load %arg1[%get3A, %get3A_0] : memref<4000x300xf32, #tpu.memory_space<vmem>>, vector<4000x300xf32>
    %broadcast_in_dim3A = arith.constant 0.000000e+00 : f32
    %broadcast_in_dim3A_2 = vector.broadcast %broadcast_in_dim3A : f32 to vector<4000x4xf32>
    %concatenate3A = tpu.concatenate %get3A_1, %broadcast_in_dim3A_2 in 1 : vector<4000x300xf32>, vector<4000x4xf32> -> vector<4000x304xf32>
    %swap3A = arith.constant 0 : index
    %swap3A_3 = arith.constant 0 : index
    %swap3A_4 = vector.load %arg2[%swap3A, %swap3A_3] : memref<4000x304xf32, #tpu.memory_space<vmem>>, vector<4000x304xf32>
    tpu.vector_store %arg2[%swap3A, %swap3A_3], %concatenate3A {strides = array<i32>} : memref<4000x304xf32, #tpu.memory_space<vmem>>, vector<4000x304xf32>,
    return
  }
  func.func @transform_0(%arg0: i32) -> (i32, i32) {
    %c0_i32 = arith.constant 0 : i32
    %c0_i32_0 = arith.constant 0 : i32
    return %arg0, %c0_i32 : i32, i32
  }
  func.func @transform_1(%arg0: i32) -> (i32, i32) {
    %c0_i32 = arith.constant 0 : i32
    %c0_i32_0 = arith.constant 0 : i32
    return %arg0, %c0_i32 : i32, i32
  }
}

module attributes {stable_mosaic.version = 14 : i64} {
  func.func @_mlp_body(%arg0: memref<1024x304xf32, #tpu.memory_space<vmem>>, %arg1: memref<304x32xf32, #tpu.memory_space<vmem>>, %arg2: memref<1x32xf32, #tpu.memory_space<vmem>>, %arg3: memref<32x2xf32, #tpu.memory_space<vmem>>, %arg4: memref<1x2xf32, #tpu.memory_space<vmem>>, %arg5: memref<1024x2xf32, #tpu.memory_space<vmem>>) attributes {dimension_semantics = [], scalar_prefetch = 0 : i64, scratch_operands = 0 : i64, tpu.core_type = #tpu.core_type<tc>} {
    %get3A = arith.constant 0 : index
    %get3A_0 = arith.constant 0 : index
    %get3A_1 = vector.load %arg0[%get3A, %get3A_0] : memref<1024x304xf32, #tpu.memory_space<vmem>>, vector<1024x304xf32>
    %get3A_2 = arith.constant 0 : index
    %get3A_3 = arith.constant 0 : index
    %get3A_4 = vector.load %arg1[%get3A_2, %get3A_3] : memref<304x32xf32, #tpu.memory_space<vmem>>, vector<304x32xf32>
    %dot_general3A = arith.constant dense<0.000000e+00> : vector<1024x32xf32>
    %dot_general3A_5 = tpu.matmul %get3A_1, %get3A_4, %dot_general3A {dimension_numbers = #tpu.dot_dimension_numbers<[1], [0], [0], [1], [0, 0, 1, 1], [], []>, transpose_lhs_hint = false} : vector<1024x304xf32>, vector<304x32xf32>, vector<1024x32xf32> -> vector<1024x32xf32>
    %get3A_6 = arith.constant 0 : index
    %get3A_7 = arith.constant 0 : index
    %get3A_8 = vector.load %arg2[%get3A_6, %get3A_7] : memref<1x32xf32, #tpu.memory_space<vmem>>, vector<1x32xf32>
    %add3A = vector.broadcast %get3A_8 : vector<1x32xf32> to vector<1024x32xf32>
    %add3A_9 = arith.addf %dot_general3A_5, %add3A : vector<1024x32xf32>
    %max3A = arith.constant 0.000000e+00 : f32
    %max3A_10 = vector.broadcast %max3A : f32 to vector<1024x32xf32>
    %max3A_11 = arith.maximumf %add3A_9, %max3A_10 : vector<1024x32xf32>
    %get3A_12 = arith.constant 0 : index
    %get3A_13 = arith.constant 0 : index
    %get3A_14 = vector.load %arg3[%get3A_12, %get3A_13] : memref<32x2xf32, #tpu.memory_space<vmem>>, vector<32x2xf32>
    %dot_general3A_15 = arith.constant dense<0.000000e+00> : vector<1024x2xf32>
    %dot_general3A_16 = tpu.matmul %max3A_11, %get3A_14, %dot_general3A_15 {dimension_numbers = #tpu.dot_dimension_numbers<[1], [0], [0], [1], [0, 0, 1, 1], [], []>, transpose_lhs_hint = false} : vector<1024x32xf32>, vector<32x2xf32>, vector<1024x2xf32> -> vector<1024x2xf32>
    %get3A_17 = arith.constant 0 : index
    %get3A_18 = arith.constant 0 : index
    %get3A_19 = vector.load %arg4[%get3A_17, %get3A_18] : memref<1x2xf32, #tpu.memory_space<vmem>>, vector<1x2xf32>
    %add3A_20 = vector.broadcast %get3A_19 : vector<1x2xf32> to vector<1024x2xf32>
    %add3A_21 = arith.addf %dot_general3A_16, %add3A_20 : vector<1024x2xf32>
    %reduce_max3A = arith.constant dense<0xFF800000> : vector<2xf32>
    %reduce_max3A_22 = vector.multi_reduction <maximumf>, %add3A_21, %reduce_max3A [0] : vector<1024x2xf32> to vector<2xf32>
    %broadcast_in_dim3A = vector.shape_cast %reduce_max3A_22 : vector<2xf32> to vector<1x2xf32>
    %sub3A = vector.broadcast %broadcast_in_dim3A : vector<1x2xf32> to vector<1024x2xf32>
    %sub3A_23 = arith.subf %add3A_21, %sub3A : vector<1024x2xf32>
    %exp3A = math.exp %sub3A_23 : vector<1024x2xf32>
    %reduce_sum3A = arith.constant dense<0.000000e+00> : vector<2xf32>
    %reduce_sum3A_24 = vector.multi_reduction <add>, %exp3A, %reduce_sum3A [0] : vector<1024x2xf32> to vector<2xf32>
    %broadcast_in_dim3A_25 = vector.shape_cast %reduce_sum3A_24 : vector<2xf32> to vector<1x2xf32>
    %log3A = math.log %broadcast_in_dim3A_25 : vector<1x2xf32>
    %sub3A_26 = vector.broadcast %log3A : vector<1x2xf32> to vector<1024x2xf32>
    %sub3A_27 = arith.subf %sub3A_23, %sub3A_26 : vector<1024x2xf32>
    %swap3A = arith.constant 0 : index
    %swap3A_28 = arith.constant 0 : index
    %swap3A_29 = vector.load %arg5[%swap3A, %swap3A_28] : memref<1024x2xf32, #tpu.memory_space<vmem>>, vector<1024x2xf32>
    tpu.vector_store %arg5[%swap3A, %swap3A_28], %sub3A_27 {strides = array<i32>} : memref<1024x2xf32, #tpu.memory_space<vmem>>, vector<1024x2xf32>,
    return
  }
}

</mosaic_0001>

<sc_bundles>
// kernel: kernel.5.cloned.1.call-start
scs
__scs_entry_jumppad:
0x0: {  	(pc) =	sbr.rel $0x88, $3  }
0x1: {  	(tag) =	ssettag $0x0;
	lr =	simm.s32 $0x1  }
0x2: {  	[smem:$0x3F9B] =	sst lr;
	_ =	strace $0xD0000000  }
0x3: {  	_ = 	snop  }
0x4: {  	_ = 	snop  }
0x5: {  	_ = 	snop  }
0x6: {  	_ = 	snop  }
0x7: {  	_ = 	snop  }
__scs_overlays_trampoline_lowered:
0x8: {  	[smem:$0x3FAA] =	sst s0  }
0x9: {  	[smem:$0x3FAB] =	sst s1  }
0xa: {  	[smem:$0x3FAC] =	sst s2  }
0xb: {  	[smem:$0x3FAD] =	sst s3  }
0xc: {  	[smem:$0x3FAE] =	sst s4  }
0xd: {  	[smem:$0x3FAF] =	sst s5  }
0xe: {  	[smem:$0x3FB0] =	sst s6  }
0xf: {  	[smem:$0x3FB1] =	sst s7  }
0x10: {  	[smem:$0x3FB2] =	sst s8  }
0x11: {  	[smem:$0x3FB3] =	sst s9;
	s0 =	simm.s32 @!p0 $0x0  }
0x12: {  	s1 =	sld [smem:$0x3F99];
	s0 =	simm.s32 @p0 $0x1  }
0x13: {  	[smem:$0x3FB4] =	sst s0;
	s0 =	simm.s32 @!p1 $0x0  }
0x14: {  	s2 =	sld [smem:$0x3F98];
	s0 =	simm.s32 @p1 $0x1  }
0x15: {  	[smem:$0x3FB5] =	sst s0;
	s0 =	simm.s32 @!p2 $0x0  }
0x16: {  	s3 =	sld [smem:$0x3FDB];
	s0 =	simm.s32 @p2 $0x1  }
0x17: {  	s4 =	simm.s32 $0x1BF5;
	[smem:$0x3FB7] =	sst s0  }
0x18: {  	s0 =	sld [smem:$0x3F9A];
	_ =	swait.ge [sflag:s4], $0x0  }
0x19: {  	s7 =	sld [smem:$0x3F9B]  }
0x1a: {  	s8 =	sadd.s32 $0xFFFFE003, lr  }
0x1b: {  	s9 =	sadd.s32 $0xFFFFFEF7, lr;
	s5 =	simm.s32 $0xFFFFFFFF;
	p2 =	slt.u32 s8, $0xFFFFF086  }
0x1c: {  	p1 =	slt.u32 s9, $0xF7A;
	s5 =	simm.s32 @!p2 $0x0  }
0x1d: {  	s5 =	simm.s32 @p1 $0x1;
	p0 =	seq.s32 s7, s2  }
0x1e: {  	s7 =	smul.u32 @!p0 $0xF7A, s2;
	p2 =	seq.s32 @!p0 s5, $0x0  }
0x1f: {  	s9 =	smul.u32 $0xF7A, s1;
	s8 =	simm.s32 @!p0 $0x1BF5;
	p2 =	por !p2, p0  }
0x20: {  	[sflag:s8] =	ssyncset.s32 @!p0 $0xFFFFF086;
	s6 =	sadd.s32 @!p0 s3, s7;
	s7 =	simm.s32 @!p0 $0x108  }
0x21: {  	s3 =	sadd.s32 s3, s9;
	s6 =	sadd.s32 @!p0 $0x88, s6;
	s7 =	simm.s32 @p2 $0x1082  }
0x22: {  	[simem:s7], [sflag:s8] =	dma.local @!p0 [hbm:s6], $0xF7A  }
0x23: {  	s9 =	sor.u32 $0xD0000000, s2;
	s6 =	simm.s32 $0x108;
	_ =	swait.ge @!p0 [sflag:s8], $0x0  }
0x24: {  	s3 =	sadd.s32 $0x88, s3;
	s6 =	simm.s32 @!p1 $0x1082;
	[sflag:s4] =	ssyncset.s32 $0xFFFFF086  }
0x25: {  	[simem:s6], [sflag:s4] =	dma.local [hbm:s3], $0xF7A  }
0x26: {  	[smem:$0x3F9B] =	sst s1;
	(tag) =	ssettag s2;
	_ =	strace s9  }
0x27: {  	s1 =	sld [smem:$0x3FAB]  }
0x28: {  	s2 =	sld [smem:$0x3FAC]  }
0x29: {  	s4 =	sld [smem:$0x3FAE]  }
0x2a: {  	p0 =	seq.s32 s5, $0x0;
	s5 =	sld [smem:$0x3FAF]  }
0x2b: {  	s6 =	sld [smem:$0x3FB0]  }
0x2c: {  	s7 =	sld [smem:$0x3FB1]  }
0x2d: {  	s3 =	simm.s32 $0x108;
	s8 =	sld [smem:$0x3FB2]  }
0x2e: {  	s3 =	simm.s32 @!p0 $0x1082;
	s9 =	sld [smem:$0x3FB3]  }
0x2f: {  	lr =	sadd.s32 s0, s3;
	s0 =	sld [smem:$0x3FAA]  }
0x30: {  	s3 =	sld [smem:$0x3FAD]  }
0x31: {  	[smem:$0x3FB6] =	sst s10  }
0x32: {  	s10 =	sld [smem:$0x3FB4];
	_ =	sdelay $0x3  }
0x33: {  	p0 =	seq.s32 s10, $0x1;
	s10 =	sld [smem:$0x3FB6];
	_ =	sdelay $0x3  }
0x34: {  	[smem:$0x3FB6] =	sst s10  }
0x35: {  	s10 =	sld [smem:$0x3FB5];
	_ =	sdelay $0x3  }
0x36: {  	p1 =	seq.s32 s10, $0x1;
	s10 =	sld [smem:$0x3FB6];
	_ =	sdelay $0x3  }
0x37: {  	[smem:$0x3FB6] =	sst s10  }
0x38: {  	s10 =	sld [smem:$0x3FB7]  }
0x39: {  	_ = 	snop;
	(pc) =	sbr.ind lr, $3  }
0x3a: {  	_ = 	snop  }
0x3b: {  	_ = 	snop  }
0x3c: {  	p2 =	seq.s32 s10, $0x1;
	s10 =	sld [smem:$0x3FB6]  }
0x3d: {  	_ =	shalt  }
0x3e: {  	_ =	shalt  }
0x3f: {  	_ =	shalt  }
0x40: {  	_ =	shalt  }
0x41: {  	_ =	shalt  }
0x42: {  	_ =	shalt  }
0x43: {  	_ =	shalt  }
0x44: {  	_ =	shalt  }
0x45: {  	_ =	shalt  }
0x46: {  	_ =	shalt  }
0x47: {  	_ =	shalt  }
0x48: {  	_ =	shalt  }
0x49: {  	_ =	shalt  }
0x4a: {  	_ =	shalt  }
0x4b: {  	_ =	shalt  }
0x4c: {  	_ =	shalt  }
0x4d: {  	_ =	shalt  }
0x4e: {  	_ =	shalt  }
0x4f: {  	_ =	shalt  }
0x50: {  	_ =	shalt  }
0x51: {  	_ =	shalt  }
0x52: {  	_ =	shalt  }
0x53: {  	_ =	shalt  }
0x54: {  	_ =	shalt  }
0x55: {  	_ =	shalt  }
0x56: {  	_ =	shalt  }
0x57: {  	_ =	shalt  }
0x58: {  	_ =	shalt  }
0x59: {  	_ =	shalt  }
0x5a: {  	_ =	shalt  }
0x5b: {  	_ =	shalt  }
0x5c: {  	_ =	shalt  }
0x5d: {  	_ =	shalt  }
0x5e: {  	_ =	shalt  }
0x5f: {  	_ =	shalt  }
0x60: {  	_ =	shalt  }
0x61: {  	_ =	shalt  }
0x62: {  	_ =	shalt  }
0x63: {  	_ =	shalt  }
0x64: {  	_ =	shalt  }
0x65: {  	_ =	shalt  }
0x66: {  	_ =	shalt  }
0x67: {  	_ =	shalt  }
0x68: {  	_ =	shalt  }
0x69: {  	_ =	shalt  }
0x6a: {  	_ =	shalt  }
0x6b: {  	_ =	shalt  }
0x6c: {  	_ =	shalt  }
0x6d: {  	_ =	shalt  }
0x6e: {  	_ =	shalt  }
0x6f: {  	_ =	shalt  }
0x70: {  	_ =	shalt  }
0x71: {  	_ =	shalt  }
0x72: {  	_ =	shalt  }
0x73: {  	_ =	shalt  }
0x74: {  	_ =	shalt  }
0x75: {  	_ =	shalt  }
0x76: {  	_ =	shalt  }
0x77: {  	_ =	shalt  }
0x78: {  	_ =	shalt  }
0x79: {  	_ =	shalt  }
0x7a: {  	_ =	shalt  }
0x7b: {  	_ =	shalt  }
0x7c: {  	_ =	shalt  }
0x7d: {  	_ =	shalt  }
0x7e: {  	_ =	shalt  }
0x7f: {  	_ =	shalt  }
0x80: {  	_ =	shalt  }
0x81: {  	_ =	shalt  }
0x82: {  	_ =	shalt  }
0x83: {  	_ =	shalt  }
0x84: {  	_ =	shalt  }
0x85: {  	_ =	shalt  }
0x86: {  	_ =	shalt  }
0x87: {  	_ =	shalt  }
.Lfunc_end0:
.L_simem_size_0:
called_computation_lowered:
.L_overlay_start_0:
0x88: {  	s2 =	sld [smem:$0x3FD9]  }
0x89: {  	s3 =	sld [smem:$0x3FFE];
	_ =	sdelay $0x1  }
0x8a: {  	s1 =	srdreg.scid  }
0x8b: {  	s0 =	sand.u32 $0x1, s1  }
0x8c: {  	s16 =	sshll.u32 s0, $0xA;
	s2 =	sadd.s32 s3, s2  }
0x8d: {  	s2 =	sadd.s32 s2, s16  }
0x8e: {  	[smem:$0x3FC2] =	sst s2  }
0x8f: {  	_ = 	snop  }
0x90: {  	(tm) =	ssettm $0x1  }
0x91: {  	s17 =	sld [smem:$0x3FFB];
	_ =	sdelay $0x3  }
0x92: {  	_ =	strace s17  }
0x93: {  	s2 =	sld [smem:$0x3FFC];
	_ =	sdelay $0x3  }
0x94: {  	_ =	strace s2  }
0x95: {  	s2 =	sld [smem:$0x3FFD];
	_ =	sdelay $0x3  }
0x96: {  	_ =	strace s2  }
0x97: {  	_ =	strace $0x8FFFFFFF  }
0x98: {  	s18 =	sld [smem:$0x3FDB];
	_ =	sdelay $0x1  }
0x99: {  	s19 =	simm.s32 $_scs_section_size  }
0x9a: {  	s4 =	simm.s32 $_size__tile_overlayer_lowered;
	s5 =	simm.s32 $_tile_overlayer_lowered  }
0x9b: {  	s22 =	simm.s32 $0x1BFF;
	s21 =	sshll.u32 s5, $0x1;
	s2 =	sadd.s32 s19, s18  }
0x9c: {  	s6 =	simm.s32 $0x0;
	s20 =	sshll.u32 s4, $0x1;
	s4 =	sadd.s32 s21, s2  }
0x9d: {  	[timem:s6], [sflag:s22] =	dma.local [hbm:s4], s20  }
0x9e: {  	_ =	swait.ge [sflag:s22], s20  }
0x9f: {  	s3 =	ssub.s32 $0x0, s20;
	[sflag:s22] =	ssyncset.done $0x0  }
0xa0: {  	[sflag:s22] =	ssyncadd.s32 s3;
	_ =	sdelay $0x1  }
0xa1: {  	s23 =	simm.s32 $0x1B8B  }
0xa2: {  	_ =	swait.ge [sflag:s23], $0x1  }
0xa3: {  	[sflag:s23] =	ssyncset.done $0x0  }
0xa4: {  	s25 =	simm.s32 $0x1B8E;
	s24 =	sld [smem:$0x3FFE];
	[sflag:s23] =	ssyncadd.s32 $0xFFFFFFFF  }
0xa5: {  	s26 =	simm.s32 $execute0_lowered;
	[smem:$0x3FD2] =	sst s25  }
0xa6: {  	s4 =	sshll.u32 s26, $0x1;
	_ =	strace $0x80000046;
	[dreg:$0x1] =	wrdreg $0xFFFFFFFF  }
0xa7: {  	s28 =	simm.s32 $_size_execute0_lowered;
	s2 =	sadd.s32 s2, s4;
	[dreg:$0x0] =	wrdreg $0x0  }
0xa8: {  	s4 =	sshll.u32 s28, $0x1;
	[dreg:$0x2] =	wrdreg s2  }
0xa9: {  	[dreg:$0x3] =	wrdreg s4  }
0xaa: {  	[dreg:$0x4] =	wrdreg $0xC0  }
0xab: {  	_ =	task [dreg:s6], $0x5FFFF  }
0xac: {  	[dreg:$0x1] =	wrdreg $0xFFFFFFFF  }
0xad: {  	[dreg:$0x0] =	wrdreg $0x60  }
0xae: {  	[dreg:$0x2] =	wrdreg s24  }
0xaf: {  	[dreg:$0x3] =	wrdreg $0x9  }
0xb0: {  	_ =	task.clear_ibuf [dreg:s6], $0x4FFFF;
	_ =	strace $0x90000046  }
0xb1: {  	s29 =	simm.s32 $0x9;
	_ =	strace $0x80000048  }
0xb2: {  	_ =	swait.ge [sflag:s29], $0x1  }
0xb3: {  	[sflag:s29] =	ssyncadd.s32 $0xFFFFFFFF  }
0xb4: {  	_ =	strace $0x90000048  }
0xb5: {  	_ =	sfence  }
0xb6: {  	s30 =	sld [smem:$0x0];
	_ =	sdelay $0x2  }
0xb7: {  	s31 =	sshll.u32 s1, $0xD;
	s1 =	sshrl.u32 s1, $0x2  }
0xb8: {  	s3 =	sand.u32 $0x4000, s31;
	s1 =	sadd.s32 s1, s30  }
0xb9: {  	s0 =	sor.u32 s3, s0;
	s1 =	sshll.u32 s1, $0x11  }
0xba: {  	s0 =	sor.u32 s1, s0  }
0xbb: {  	s0 =	sadd.s32 $0x8F2B, s0  }
0xbc: {  	[sflag:s0] =	ssyncadd.remote.s32 $0x1  }
0xbd: {  	_ =	sfence.sel $0xFFFF  }
0xbe: {  	[dreg:$0x0] =	wrdreg $0xFFFFFFFF;
	(pc) =	sbr.abs _section_cstart, $3  }
0xbf: {  	[dreg:$0x1] =	wrdreg $0xFFFFFFFF  }
0xc0: {  	_ =	task.clear_ibuf [dreg:s6], $0x2FFFF;
	_ =	strace $0x9FFFFFFF  }
0xc1: {  	(tm) =	ssettm $0x7FFFFFFF  }
tec
execute0_lowered:
.L_overlay_start_1:
0x0: {  	(tag) =	ssettag $0x1  }
0x1: {  	s1 =	srdreg.scid  }
0x2: {  	s0 =	stileid.u32;
	s4 =	rddreg [dreg:$0x0]  }
0x3: {  	s8 =	simm.s32 $0x28;
	s9 =	simm.s32 $0x1900;
	s10 =	simm.s32 $0x4880  }
0x4: {  	s11 =	simm.s32 $0x50;
	s12 =	simm.s32 $0x7800;
	s13 =	simm.s32 $0x78  }
0x5: {  	s14 =	simm.s32 $0xA780;
	s15 =	simm.s32 $0xA0;
	s16 =	simm.s32 $0xD700  }
0x6: {  	s17 =	simm.s32 $0x1;
	s18 =	simm.s32 $0x2;
	s19 =	simm.s32 $0x3  }
0x7: {  	s20 =	simm.s32 $0x4;
	s21 =	simm.s32 $0x5;
	s3 =	sand.u32 $0x1, s1  }
0x8: {  	s22 =	simm.s32 $0x10680;
	s30 =	sshll.u32 s0, $0x6;
	s2 =	sshll.u32 s3, $0x5  }
0x9: {  	s23 =	simm.s32 $0x0;
	s1 =	rddreg [dreg:$0x1];
	s5 =	sor.u32 s2, s30  }
0xa: {  	s7 =	ssub.s32 $0x2, s3;
	s3 =	sadd.s32 $0xE00, s4;
	s6 =	smul.u32 $0x19, s5  }
0xb: {  	s2 =	simm.s32 $0x0;
	s31 =	sshrl.u32 s7, $0x1;
	s5 =	smul.u32 $0x26, s5  }
0xc: {  	[smem:$0x7FF] =	sst s2;
	s7 =	ssub.s32 s7, s31;
	s6 =	sadd.s32 s6, s4  }
0xd: {  	_ =	strace $0x80000047;
	s5 =	sadd.s32 s5, s4;
	s4 =	sadd.s32 $0x3A0A00, s6  }
0xe: {  	s5 =	sadd.s32 $0x3A6E00, s5;
	s6 =	smax.u32 s7, $0x1;
	s7 =	simm.s32 $0x6  }
.LBB2_1:
0xf: {  	[tilespmem:s2], [sflag:$0x6] =	stream.linear.gather [hbm4b:s4+s2], $0x1900, $0x38;
	[tilespmem:$0x12C80] =	vst v63  }
0x10: {  	_ =	swait.ge [sflag:s7], $0x1900  }
0x11: {  	[sflag:s7] =	ssyncset.done $0x0  }
0x12: {  	[sflag:s7] =	ssyncadd.s32 $0xFFFFE700  }
0x13: {  	[tilespmem:s9], [sflag:$0x1] =	stream.indirect.gather [hbm4b:s3+s8], $0x130, s2, s8, $0xb8;
	[tilespmem:$0x12C80] =	vst v63  }
0x14: {  	_ = 	snop  }
0x15: {  	[tilespmem:s10], [sflag:$0x2] =	stream.indirect.gather [hbm4b:s3+s8], $0x130, s8, s8, $0xb8;
	[tilespmem:$0x12C80] =	vst v63  }
0x16: {  	_ = 	snop  }
0x17: {  	[tilespmem:s12], [sflag:$0x3] =	stream.indirect.gather [hbm4b:s3+s8], $0x130, s11, s8, $0xb8;
	[tilespmem:$0x12C80] =	vst v63  }
0x18: {  	_ = 	snop  }
0x19: {  	[tilespmem:s14], [sflag:$0x4] =	stream.indirect.gather [hbm4b:s3+s8], $0x130, s13, s8, $0xb8;
	[tilespmem:$0x12C80] =	vst v63  }
0x1a: {  	s24 =	simm.s32 $0x0  }
0x1b: {  	[tilespmem:s16], [sflag:$0x5] =	stream.indirect.gather [hbm4b:s3+s8], $0x130, s15, s8, $0xb8;
	[tilespmem:$0x12C80] =	vst v63  }
.LBB2_2:
0x1c: {  	_ =	swait.ge [sflag:s17], $0x2F80  }
0x1d: {  	[sflag:s17] =	ssyncset.done $0x0  }
0x1e: {  	s28 =	simm.s32 $0x0;
	[sflag:s17] =	ssyncadd.s32 $0xFFFFD080  }
0x1f: {  	v0 =	vld [tilespmem:s28+$0x1A20]  }
0x20: {  	v1 =	vld [tilespmem:s28+$0x1900]  }
0x21: {  	v2 =	vld [tilespmem:s28+$0x1910]  }
0x22: {  	v4 =	vld [tilespmem:s28+$0x1920]  }
0x23: {  	v5 =	vld [tilespmem:s28+$0x1930]  }
0x24: {  	v6 =	vld [tilespmem:s28+$0x1940]  }
0x25: {  	v7 =	vld [tilespmem:s28+$0x1950]  }
0x26: {  	v8 =	vld [tilespmem:s28+$0x1960]  }
0x27: {  	v9 =	vld [tilespmem:s28+$0x1970]  }
0x28: {  	v10 =	vld [tilespmem:s28+$0x1980]  }
0x29: {  	v15 =	vld [tilespmem:s28+$0x1990]  }
0x2a: {  	v14 =	vimm.f32 $0.0e+00;
	v16 =	vld [tilespmem:s28+$0x19A0]  }
0x2b: {  	v17 =	vld [tilespmem:s28+$0x19B0];
	v11 =	vadd.f32 v0, v14;
	v3 =	vadd.f32 v1, v14  }
0x2c: {  	v18 =	vld [tilespmem:s28+$0x19C0];
	v12 =	vadd.f32 v2, v14;
	v4 =	vadd.f32 v4, v14  }
0x2d: {  	v13 =	vadd.f32 v5, v14;
	v5 =	vadd.f32 v6, v14  }
0x2e: {  	v19 =	vld [tilespmem:s28+$0x19D0];
	v6 =	vadd.f32 v7, v14;
	v0 =	vadd.f32 v8, v14  }
0x2f: {  	v20 =	vld [tilespmem:s28+$0x19E0];
	v7 =	vadd.f32 v9, v14;
	v1 =	vadd.f32 v10, v14  }
0x30: {  	v21 =	vld [tilespmem:s28+$0x19F0];
	v8 =	vadd.f32 v15, v14;
	v2 =	vadd.f32 v16, v14  }
0x31: {  	v22 =	vld [tilespmem:s28+$0x1A00];
	v9 =	vadd.f32 v17, v14;
	v10 =	vadd.f32 v18, v14;
	v15 =	vimm.f32 $0.0e+00  }
0x32: {  	s26 =	simm.s32 $0x130;
	s25 =	simm.s32 $0x980;
	v23 =	vld [tilespmem:s28+$0x1A10];
	v17 =	vimm.f32 $0.0e+00;
	v18 =	vimm.f32 $0.0e+00;
	v16 =	vimm.f32 $0.0e+00  }
.LBB2_3:
0x33: {  	p0 =	sne.s32 s25, $0xB940;
	v24 =	vld [tilespmem:s26+$0x1A20];
	v14 =	vadd.f32 v19, v14  }
0x34: {  	v19 =	vld [tilespmem:s26+$0x1900];
	v15 =	vadd.f32 v20, v15  }
0x35: {  	v20 =	vld [tilespmem:s26+$0x1910];
	v17 =	vadd.f32 v21, v17  }
0x36: {  	v21 =	vld [tilespmem:s26+$0x1920];
	v18 =	vadd.f32 v22, v18  }
0x37: {  	v22 =	vld [tilespmem:s26+$0x1930];
	v16 =	vadd.f32 v23, v16  }
0x38: {  	v23 =	vld [tilespmem:s26+$0x1940];
	v11 =	vadd.f32 v24, v11  }
0x39: {  	v3 =	vadd.f32 v19, v3;
	v19 =	vld [tilespmem:s26+$0x1950]  }
0x3a: {  	v12 =	vadd.f32 v20, v12;
	v20 =	vld [tilespmem:s26+$0x1960]  }
0x3b: {  	v4 =	vadd.f32 v21, v4;
	v21 =	vld [tilespmem:s26+$0x1970]  }
0x3c: {  	v13 =	vadd.f32 v22, v13;
	v22 =	vld [tilespmem:s26+$0x1980]  }
0x3d: {  	v5 =	vadd.f32 v23, v5;
	v23 =	vld [tilespmem:s26+$0x1990]  }
0x3e: {  	v6 =	vadd.f32 v19, v6;
	v24 =	vld [tilespmem:s26+$0x19A0]  }
0x3f: {  	v0 =	vadd.f32 v20, v0;
	v25 =	vld [tilespmem:s26+$0x19B0]  }
0x40: {  	v7 =	vadd.f32 v21, v7;
	v26 =	vld [tilespmem:s26+$0x19C0]  }
.Ltmp0:
0x41: {  	v1 =	vadd.f32 v22, v1;
	v19 =	vld [tilespmem:s26+$0x19D0];
	(pc) =	sbr.rel @p0 .LBB2_3-.Ltmp0, $4  }
0x42: {  	v8 =	vadd.f32 v23, v8;
	v20 =	vld [tilespmem:s26+$0x19E0]  }
0x43: {  	v2 =	vadd.f32 v24, v2;
	v21 =	vld [tilespmem:s26+$0x19F0]  }
0x44: {  	v9 =	vadd.f32 v25, v9;
	v22 =	vld [tilespmem:s26+$0x1A00]  }
0x45: {  	v10 =	vadd.f32 v26, v10;
	v23 =	vld [tilespmem:s26+$0x1A10];
	s26 =	sshra.s32 s25, $0x2;
	s25 =	sadd.s32 $0x4C0, s25  }
0x46: {  	v24 =	vld [tilespmem:s26+$0x1A20]  }
0x47: {  	v25 =	vld [tilespmem:s26+$0x1900]  }
0x48: {  	v26 =	vld [tilespmem:s26+$0x1910]  }
0x49: {  	v27 =	vld [tilespmem:s26+$0x1920]  }
0x4a: {  	v28 =	vld [tilespmem:s26+$0x1930]  }
0x4b: {  	v29 =	vld [tilespmem:s26+$0x1940]  }
0x4c: {  	v30 =	vld [tilespmem:s26+$0x1950]  }
0x4d: {  	v31 =	vld [tilespmem:s26+$0x1960]  }
0x4e: {  	v32 =	vld [tilespmem:s26+$0x1970]  }
0x4f: {  	v33 =	vld [tilespmem:s26+$0x1980]  }
0x50: {  	v34 =	vld [tilespmem:s26+$0x1990]  }
0x51: {  	v35 =	vld [tilespmem:s26+$0x19A0]  }
0x52: {  	v36 =	vld [tilespmem:s26+$0x19B0]  }
0x53: {  	v37 =	vld [tilespmem:s26+$0x19C0]  }
0x54: {  	v38 =	vld [tilespmem:s26+$0x19D0]  }
0x55: {  	v39 =	vld [tilespmem:s26+$0x19E0];
	s25 =	sadd.s32 $0x1, s24;
	p0 =	seq.s32 s24, $0x1F  }
0x56: {  	v40 =	vld [tilespmem:s26+$0x19F0];
	s28 =	smul.u32 @!p0 $0x320, s25  }
0x57: {  	v41 =	vld [tilespmem:s26+$0x1A00]  }
0x58: {  	v42 =	vld [tilespmem:s26+$0x1A10];
	s29 =	simm.s32 @!p0 $0x1900;
	s26 =	sshra.s32 @!p0 s28, $0x2;
	s28 =	simm.s32 @!p0 $0x28  }
0x59: {  	[tilespmem:s29], [sflag:$0x1] =	stream.indirect.gather @!p0 [hbm4b:s3+s28], $0x130, s26, s28, $0xb8;
	[tilespmem:$0x12C80] =	vst v63  }
0x5a: {  	_ =	swait.ge [sflag:s18], $0x2F80  }
0x5b: {  	[sflag:s18] =	ssyncset.done $0x0  }
0x5c: {  	s30 =	simm.s32 $0x0;
	[sflag:s18] =	ssyncadd.s32 $0xFFFFD080  }
0x5d: {  	v14 =	vadd.f32 v19, v14;
	v15 =	vadd.f32 v20, v15;
	v19 =	vld [tilespmem:s30+$0x49A0]  }
0x5e: {  	v17 =	vadd.f32 v21, v17;
	v18 =	vadd.f32 v22, v18;
	v20 =	vld [tilespmem:s30+$0x4880]  }
0x5f: {  	v16 =	vadd.f32 v23, v16;
	v11 =	vadd.f32 v24, v11;
	v21 =	vld [tilespmem:s30+$0x4890]  }
0x60: {  	v3 =	vadd.f32 v25, v3;
	v12 =	vadd.f32 v26, v12;
	v22 =	vld [tilespmem:s30+$0x48A0]  }
0x61: {  	v4 =	vadd.f32 v27, v4;
	v13 =	vadd.f32 v28, v13;
	v23 =	vld [tilespmem:s30+$0x48B0]  }
0x62: {  	v5 =	vadd.f32 v29, v5;
	v6 =	vadd.f32 v30, v6;
	v52 =	vld [tilespmem:s30+$0x48C0]  }
0x63: {  	v53 =	vadd.f32 v31, v0;
	v7 =	vadd.f32 v32, v7;
	v54 =	vld [tilespmem:s30+$0x48D0]  }
0x64: {  	v55 =	vadd.f32 v33, v1;
	v8 =	vadd.f32 v34, v8;
	v56 =	vld [tilespmem:s30+$0x48E0]  }
0x65: {  	v57 =	vadd.f32 v35, v2;
	v58 =	vadd.f32 v36, v9;
	v59 =	vld [tilespmem:s30+$0x48F0]  }
0x66: {  	v60 =	vadd.f32 v37, v10;
	v0 =	vadd.f32 v38, v14;
	v61 =	vld [tilespmem:s30+$0x4900]  }
0x67: {  	v9 =	vadd.f32 v39, v15;
	v1 =	vadd.f32 v40, v17;
	v17 =	vld [tilespmem:s30+$0x4910]  }
0x68: {  	v10 =	vadd.f32 v41, v18;
	v2 =	vadd.f32 v42, v16;
	v18 =	vld [tilespmem:s30+$0x4920]  }
0x69: {  	v62 =	vld [tilespmem:s30+$0x4930];
	v11 =	vadd.f32 v19, v11;
	v3 =	vadd.f32 v20, v3  }
0x6a: {  	v63 =	vld [tilespmem:s30+$0x4940];
	v12 =	vadd.f32 v21, v12;
	v4 =	vadd.f32 v22, v4  }
0x6b: {  	v13 =	vadd.f32 v23, v13;
	v5 =	vadd.f32 v52, v5;
	v19 =	vld [tilespmem:s30+$0x4950]  }
0x6c: {  	v14 =	vadd.f32 v54, v6;
	v6 =	vadd.f32 v56, v53;
	v20 =	vld [tilespmem:s30+$0x4960]  }
0x6d: {  	v15 =	vadd.f32 v59, v7;
	v7 =	vadd.f32 v61, v55;
	v21 =	vld [tilespmem:s30+$0x4970]  }
0x6e: {  	v16 =	vadd.f32 v17, v8;
	v8 =	vadd.f32 v18, v57;
	v22 =	vld [tilespmem:s30+$0x4980]  }
0x6f: {  	s28 =	simm.s32 $0x130;
	s29 =	simm.s32 $0x980;
	v17 =	vadd.f32 v62, v58;
	v18 =	vadd.f32 v63, v60;
	v23 =	vld [tilespmem:s30+$0x4990]  }
.LBB2_5:
0x70: {  	p1 =	sne.s32 s29, $0xB940;
	v24 =	vld [tilespmem:s28+$0x49A0];
	v0 =	vadd.f32 v19, v0  }
0x71: {  	v19 =	vld [tilespmem:s28+$0x4880];
	v9 =	vadd.f32 v20, v9  }
0x72: {  	v20 =	vld [tilespmem:s28+$0x4890];
	v1 =	vadd.f32 v21, v1  }
0x73: {  	v21 =	vld [tilespmem:s28+$0x48A0];
	v10 =	vadd.f32 v22, v10  }
0x74: {  	v22 =	vld [tilespmem:s28+$0x48B0];
	v2 =	vadd.f32 v23, v2  }
0x75: {  	v23 =	vld [tilespmem:s28+$0x48C0];
	v11 =	vadd.f32 v24, v11  }
0x76: {  	v3 =	vadd.f32 v19, v3;
	v19 =	vld [tilespmem:s28+$0x48D0]  }
0x77: {  	v12 =	vadd.f32 v20, v12;
	v20 =	vld [tilespmem:s28+$0x48E0]  }
0x78: {  	v4 =	vadd.f32 v21, v4;
	v21 =	vld [tilespmem:s28+$0x48F0]  }
0x79: {  	v13 =	vadd.f32 v22, v13;
	v22 =	vld [tilespmem:s28+$0x4900]  }
0x7a: {  	v5 =	vadd.f32 v23, v5;
	v23 =	vld [tilespmem:s28+$0x4910]  }
0x7b: {  	v14 =	vadd.f32 v19, v14;
	v24 =	vld [tilespmem:s28+$0x4920]  }
0x7c: {  	v6 =	vadd.f32 v20, v6;
	v25 =	vld [tilespmem:s28+$0x4930]  }
0x7d: {  	v15 =	vadd.f32 v21, v15;
	v26 =	vld [tilespmem:s28+$0x4940]  }
.Ltmp1:
0x7e: {  	v7 =	vadd.f32 v22, v7;
	v19 =	vld [tilespmem:s28+$0x4950];
	(pc) =	sbr.rel @p1 .LBB2_5-.Ltmp1, $4  }
0x7f: {  	v16 =	vadd.f32 v23, v16;
	v20 =	vld [tilespmem:s28+$0x4960]  }
0x80: {  	v8 =	vadd.f32 v24, v8;
	v21 =	vld [tilespmem:s28+$0x4970]  }
0x81: {  	v17 =	vadd.f32 v25, v17;
	v22 =	vld [tilespmem:s28+$0x4980]  }
0x82: {  	v18 =	vadd.f32 v26, v18;
	v23 =	vld [tilespmem:s28+$0x4990];
	s28 =	sshra.s32 s29, $0x2;
	s29 =	sadd.s32 $0x4C0, s29  }
0x83: {  	v24 =	vld [tilespmem:s28+$0x49A0]  }
0x84: {  	v25 =	vld [tilespmem:s28+$0x4880]  }
0x85: {  	v26 =	vld [tilespmem:s28+$0x4890]  }
0x86: {  	v27 =	vld [tilespmem:s28+$0x48A0]  }
0x87: {  	v28 =	vld [tilespmem:s28+$0x48B0]  }
0x88: {  	v29 =	vld [tilespmem:s28+$0x48C0]  }
0x89: {  	v30 =	vld [tilespmem:s28+$0x48D0]  }
0x8a: {  	v31 =	vld [tilespmem:s28+$0x48E0]  }
0x8b: {  	v32 =	vld [tilespmem:s28+$0x48F0]  }
0x8c: {  	v33 =	vld [tilespmem:s28+$0x4900]  }
0x8d: {  	v34 =	vld [tilespmem:s28+$0x4910]  }
0x8e: {  	v35 =	vld [tilespmem:s28+$0x4920]  }
0x8f: {  	v36 =	vld [tilespmem:s28+$0x4930]  }
0x90: {  	v37 =	vld [tilespmem:s28+$0x4940]  }
0x91: {  	v38 =	vld [tilespmem:s28+$0x4950]  }
0x92: {  	v39 =	vld [tilespmem:s28+$0x4960]  }
0x93: {  	v40 =	vld [tilespmem:s28+$0x4970]  }
0x94: {  	v41 =	vld [tilespmem:s28+$0x4980]  }
0x95: {  	v42 =	vld [tilespmem:s28+$0x4990];
	s28 =	sadd.s32 @!p0 $0x28, s26;
	s29 =	simm.s32 @!p0 $0x28;
	s30 =	simm.s32 @!p0 $0x4880  }
0x96: {  	[tilespmem:s30], [sflag:$0x2] =	stream.indirect.gather @!p0 [hbm4b:s3+s29], $0x130, s28, s29, $0xb8;
	[tilespmem:$0x12C80] =	vst v63  }
0x97: {  	_ =	swait.ge [sflag:s19], $0x2F80  }
0x98: {  	[sflag:s19] =	ssyncset.done $0x0  }
0x99: {  	s31 =	simm.s32 $0x0;
	[sflag:s19] =	ssyncadd.s32 $0xFFFFD080  }
0x9a: {  	v0 =	vadd.f32 v19, v0;
	v9 =	vadd.f32 v20, v9;
	v19 =	vld [tilespmem:s31+$0x7920]  }
0x9b: {  	v1 =	vadd.f32 v21, v1;
	v10 =	vadd.f32 v22, v10;
	v20 =	vld [tilespmem:s31+$0x7800]  }
0x9c: {  	v2 =	vadd.f32 v23, v2;
	v11 =	vadd.f32 v24, v11;
	v21 =	vld [tilespmem:s31+$0x7810]  }
0x9d: {  	v3 =	vadd.f32 v25, v3;
	v12 =	vadd.f32 v26, v12;
	v22 =	vld [tilespmem:s31+$0x7820]  }
0x9e: {  	v4 =	vadd.f32 v27, v4;
	v13 =	vadd.f32 v28, v13;
	v23 =	vld [tilespmem:s31+$0x7830]  }
0x9f: {  	v5 =	vadd.f32 v29, v5;
	v14 =	vadd.f32 v30, v14;
	v55 =	vld [tilespmem:s31+$0x7840]  }
0xa0: {  	v6 =	vadd.f32 v31, v6;
	v15 =	vadd.f32 v32, v15;
	v56 =	vld [tilespmem:s31+$0x7850]  }
0xa1: {  	v7 =	vadd.f32 v33, v7;
	v16 =	vadd.f32 v34, v16;
	v57 =	vld [tilespmem:s31+$0x7860]  }
0xa2: {  	v8 =	vadd.f32 v35, v8;
	v17 =	vadd.f32 v36, v17;
	v58 =	vld [tilespmem:s31+$0x7870]  }
0xa3: {  	v18 =	vadd.f32 v37, v18;
	v0 =	vadd.f32 v38, v0;
	v59 =	vld [tilespmem:s31+$0x7880]  }
0xa4: {  	v9 =	vadd.f32 v39, v9;
	v1 =	vadd.f32 v40, v1;
	v60 =	vld [tilespmem:s31+$0x7890]  }
0xa5: {  	v10 =	vadd.f32 v41, v10;
	v61 =	vld [tilespmem:s31+$0x78A0];
	v2 =	vadd.f32 v42, v2  }
0xa6: {  	v62 =	vld [tilespmem:s31+$0x78B0];
	v11 =	vadd.f32 v19, v11;
	v3 =	vadd.f32 v20, v3  }
0xa7: {  	v63 =	vld [tilespmem:s31+$0x78C0];
	v12 =	vadd.f32 v21, v12;
	v4 =	vadd.f32 v22, v4  }
0xa8: {  	v13 =	vadd.f32 v23, v13;
	v5 =	vadd.f32 v55, v5;
	v19 =	vld [tilespmem:s31+$0x78D0]  }
0xa9: {  	v14 =	vadd.f32 v56, v14;
	v6 =	vadd.f32 v57, v6;
	v20 =	vld [tilespmem:s31+$0x78E0]  }
0xaa: {  	v15 =	vadd.f32 v58, v15;
	v7 =	vadd.f32 v59, v7;
	v21 =	vld [tilespmem:s31+$0x78F0]  }
0xab: {  	v16 =	vadd.f32 v60, v16;
	v8 =	vadd.f32 v61, v8;
	v22 =	vld [tilespmem:s31+$0x7900]  }
0xac: {  	s28 =	simm.s32 $0x130;
	s29 =	simm.s32 $0x980;
	v17 =	vadd.f32 v62, v17;
	v18 =	vadd.f32 v63, v18;
	v23 =	vld [tilespmem:s31+$0x7910]  }
.LBB2_7:
0xad: {  	p1 =	sne.s32 s29, $0xB940;
	v24 =	vld [tilespmem:s28+$0x7920];
	v0 =	vadd.f32 v19, v0  }
0xae: {  	v19 =	vld [tilespmem:s28+$0x7800];
	v9 =	vadd.f32 v20, v9  }
0xaf: {  	v20 =	vld [tilespmem:s28+$0x7810];
	v1 =	vadd.f32 v21, v1  }
0xb0: {  	v21 =	vld [tilespmem:s28+$0x7820];
	v10 =	vadd.f32 v22, v10  }
0xb1: {  	v22 =	vld [tilespmem:s28+$0x7830];
	v2 =	vadd.f32 v23, v2  }
0xb2: {  	v23 =	vld [tilespmem:s28+$0x7840];
	v11 =	vadd.f32 v24, v11  }
0xb3: {  	v3 =	vadd.f32 v19, v3;
	v19 =	vld [tilespmem:s28+$0x7850]  }
0xb4: {  	v12 =	vadd.f32 v20, v12;
	v20 =	vld [tilespmem:s28+$0x7860]  }
0xb5: {  	v4 =	vadd.f32 v21, v4;
	v21 =	vld [tilespmem:s28+$0x7870]  }
0xb6: {  	v13 =	vadd.f32 v22, v13;
	v22 =	vld [tilespmem:s28+$0x7880]  }
0xb7: {  	v5 =	vadd.f32 v23, v5;
	v23 =	vld [tilespmem:s28+$0x7890]  }
0xb8: {  	v14 =	vadd.f32 v19, v14;
	v24 =	vld [tilespmem:s28+$0x78A0]  }
0xb9: {  	v6 =	vadd.f32 v20, v6;
	v25 =	vld [tilespmem:s28+$0x78B0]  }
0xba: {  	v15 =	vadd.f32 v21, v15;
	v26 =	vld [tilespmem:s28+$0x78C0]  }
.Ltmp2:
0xbb: {  	v7 =	vadd.f32 v22, v7;
	v19 =	vld [tilespmem:s28+$0x78D0];
	(pc) =	sbr.rel @p1 .LBB2_7-.Ltmp2, $4  }
0xbc: {  	v16 =	vadd.f32 v23, v16;
	v20 =	vld [tilespmem:s28+$0x78E0]  }
0xbd: {  	v8 =	vadd.f32 v24, v8;
	v21 =	vld [tilespmem:s28+$0x78F0]  }
0xbe: {  	v17 =	vadd.f32 v25, v17;
	v22 =	vld [tilespmem:s28+$0x7900]  }
0xbf: {  	v18 =	vadd.f32 v26, v18;
	v23 =	vld [tilespmem:s28+$0x7910];
	s28 =	sshra.s32 s29, $0x2;
	s29 =	sadd.s32 $0x4C0, s29  }
0xc0: {  	v24 =	vld [tilespmem:s28+$0x7920]  }
0xc1: {  	v25 =	vld [tilespmem:s28+$0x7800]  }
0xc2: {  	v26 =	vld [tilespmem:s28+$0x7810]  }
0xc3: {  	v27 =	vld [tilespmem:s28+$0x7820]  }
0xc4: {  	v28 =	vld [tilespmem:s28+$0x7830]  }
0xc5: {  	v29 =	vld [tilespmem:s28+$0x7840]  }
0xc6: {  	v30 =	vld [tilespmem:s28+$0x7850]  }
0xc7: {  	v31 =	vld [tilespmem:s28+$0x7860]  }
0xc8: {  	v32 =	vld [tilespmem:s28+$0x7870]  }
0xc9: {  	v33 =	vld [tilespmem:s28+$0x7880]  }
0xca: {  	v34 =	vld [tilespmem:s28+$0x7890]  }
0xcb: {  	v35 =	vld [tilespmem:s28+$0x78A0]  }
0xcc: {  	v36 =	vld [tilespmem:s28+$0x78B0]  }
0xcd: {  	v37 =	vld [tilespmem:s28+$0x78C0]  }
0xce: {  	v38 =	vld [tilespmem:s28+$0x78D0]  }
0xcf: {  	v39 =	vld [tilespmem:s28+$0x78E0]  }
0xd0: {  	v40 =	vld [tilespmem:s28+$0x78F0]  }
0xd1: {  	v41 =	vld [tilespmem:s28+$0x7900]  }
0xd2: {  	v42 =	vld [tilespmem:s28+$0x7910];
	s28 =	sadd.s32 @!p0 $0x50, s26;
	s29 =	simm.s32 @!p0 $0x28;
	s30 =	simm.s32 @!p0 $0x7800  }
0xd3: {  	[tilespmem:s30], [sflag:$0x3] =	stream.indirect.gather @!p0 [hbm4b:s3+s29], $0x130, s28, s29, $0xb8;
	[tilespmem:$0x12C80] =	vst v63  }
0xd4: {  	_ =	swait.ge [sflag:s20], $0x2F80  }
0xd5: {  	[sflag:s20] =	ssyncset.done $0x0  }
0xd6: {  	s31 =	simm.s32 $0x0;
	[sflag:s20] =	ssyncadd.s32 $0xFFFFD080  }
0xd7: {  	v0 =	vadd.f32 v19, v0;
	v9 =	vadd.f32 v20, v9;
	v19 =	vld [tilespmem:s31+$0xA8A0]  }
0xd8: {  	v1 =	vadd.f32 v21, v1;
	v10 =	vadd.f32 v22, v10;
	v20 =	vld [tilespmem:s31+$0xA780]  }
0xd9: {  	v2 =	vadd.f32 v23, v2;
	v11 =	vadd.f32 v24, v11;
	v21 =	vld [tilespmem:s31+$0xA790]  }
0xda: {  	v3 =	vadd.f32 v25, v3;
	v12 =	vadd.f32 v26, v12;
	v22 =	vld [tilespmem:s31+$0xA7A0]  }
0xdb: {  	v4 =	vadd.f32 v27, v4;
	v13 =	vadd.f32 v28, v13;
	v23 =	vld [tilespmem:s31+$0xA7B0]  }
0xdc: {  	v5 =	vadd.f32 v29, v5;
	v14 =	vadd.f32 v30, v14;
	v55 =	vld [tilespmem:s31+$0xA7C0]  }
0xdd: {  	v6 =	vadd.f32 v31, v6;
	v15 =	vadd.f32 v32, v15;
	v56 =	vld [tilespmem:s31+$0xA7D0]  }
0xde: {  	v7 =	vadd.f32 v33, v7;
	v16 =	vadd.f32 v34, v16;
	v57 =	vld [tilespmem:s31+$0xA7E0]  }
0xdf: {  	v8 =	vadd.f32 v35, v8;
	v17 =	vadd.f32 v36, v17;
	v58 =	vld [tilespmem:s31+$0xA7F0]  }
0xe0: {  	v18 =	vadd.f32 v37, v18;
	v0 =	vadd.f32 v38, v0;
	v59 =	vld [tilespmem:s31+$0xA800]  }
0xe1: {  	v9 =	vadd.f32 v39, v9;
	v1 =	vadd.f32 v40, v1;
	v60 =	vld [tilespmem:s31+$0xA810]  }
0xe2: {  	v10 =	vadd.f32 v41, v10;
	v61 =	vld [tilespmem:s31+$0xA820];
	v2 =	vadd.f32 v42, v2  }
0xe3: {  	v62 =	vld [tilespmem:s31+$0xA830];
	v11 =	vadd.f32 v19, v11;
	v3 =	vadd.f32 v20, v3  }
0xe4: {  	v63 =	vld [tilespmem:s31+$0xA840];
	v12 =	vadd.f32 v21, v12;
	v4 =	vadd.f32 v22, v4  }
0xe5: {  	v13 =	vadd.f32 v23, v13;
	v5 =	vadd.f32 v55, v5;
	v19 =	vld [tilespmem:s31+$0xA850]  }
0xe6: {  	v14 =	vadd.f32 v56, v14;
	v6 =	vadd.f32 v57, v6;
	v20 =	vld [tilespmem:s31+$0xA860]  }
0xe7: {  	v15 =	vadd.f32 v58, v15;
	v7 =	vadd.f32 v59, v7;
	v21 =	vld [tilespmem:s31+$0xA870]  }
0xe8: {  	v16 =	vadd.f32 v60, v16;
	v8 =	vadd.f32 v61, v8;
	v22 =	vld [tilespmem:s31+$0xA880]  }
0xe9: {  	s28 =	simm.s32 $0x130;
	s29 =	simm.s32 $0x980;
	v17 =	vadd.f32 v62, v17;
	v18 =	vadd.f32 v63, v18;
	v23 =	vld [tilespmem:s31+$0xA890]  }
.LBB2_9:
0xea: {  	p1 =	sne.s32 s29, $0xB940;
	v24 =	vld [tilespmem:s28+$0xA8A0];
	v0 =	vadd.f32 v19, v0  }
0xeb: {  	v19 =	vld [tilespmem:s28+$0xA780];
	v9 =	vadd.f32 v20, v9  }
0xec: {  	v20 =	vld [tilespmem:s28+$0xA790];
	v1 =	vadd.f32 v21, v1  }
0xed: {  	v21 =	vld [tilespmem:s28+$0xA7A0];
	v10 =	vadd.f32 v22, v10  }
0xee: {  	v22 =	vld [tilespmem:s28+$0xA7B0];
	v2 =	vadd.f32 v23, v2  }
0xef: {  	v23 =	vld [tilespmem:s28+$0xA7C0];
	v11 =	vadd.f32 v24, v11  }
0xf0: {  	v3 =	vadd.f32 v19, v3;
	v19 =	vld [tilespmem:s28+$0xA7D0]  }
0xf1: {  	v12 =	vadd.f32 v20, v12;
	v20 =	vld [tilespmem:s28+$0xA7E0]  }
0xf2: {  	v4 =	vadd.f32 v21, v4;
	v21 =	vld [tilespmem:s28+$0xA7F0]  }
0xf3: {  	v13 =	vadd.f32 v22, v13;
	v22 =	vld [tilespmem:s28+$0xA800]  }
0xf4: {  	v5 =	vadd.f32 v23, v5;
	v23 =	vld [tilespmem:s28+$0xA810]  }
0xf5: {  	v14 =	vadd.f32 v19, v14;
	v24 =	vld [tilespmem:s28+$0xA820]  }
0xf6: {  	v6 =	vadd.f32 v20, v6;
	v25 =	vld [tilespmem:s28+$0xA830]  }
0xf7: {  	v15 =	vadd.f32 v21, v15;
	v26 =	vld [tilespmem:s28+$0xA840]  }
.Ltmp3:
0xf8: {  	v7 =	vadd.f32 v22, v7;
	v19 =	vld [tilespmem:s28+$0xA850];
	(pc) =	sbr.rel @p1 .LBB2_9-.Ltmp3, $4  }
0xf9: {  	v16 =	vadd.f32 v23, v16;
	v20 =	vld [tilespmem:s28+$0xA860]  }
0xfa: {  	v8 =	vadd.f32 v24, v8;
	v21 =	vld [tilespmem:s28+$0xA870]  }
0xfb: {  	v17 =	vadd.f32 v25, v17;
	v22 =	vld [tilespmem:s28+$0xA880]  }
0xfc: {  	v18 =	vadd.f32 v26, v18;
	v23 =	vld [tilespmem:s28+$0xA890];
	s28 =	sshra.s32 s29, $0x2;
	s29 =	sadd.s32 $0x4C0, s29  }
0xfd: {  	v24 =	vld [tilespmem:s28+$0xA8A0]  }
0xfe: {  	v25 =	vld [tilespmem:s28+$0xA780]  }
0xff: {  	v26 =	vld [tilespmem:s28+$0xA790]  }
0x100: {  	v27 =	vld [tilespmem:s28+$0xA7A0]  }
0x101: {  	v28 =	vld [tilespmem:s28+$0xA7B0]  }
0x102: {  	v29 =	vld [tilespmem:s28+$0xA7C0]  }
0x103: {  	v30 =	vld [tilespmem:s28+$0xA7D0]  }
0x104: {  	v31 =	vld [tilespmem:s28+$0xA7E0]  }
0x105: {  	v32 =	vld [tilespmem:s28+$0xA7F0]  }
0x106: {  	v33 =	vld [tilespmem:s28+$0xA800]  }
0x107: {  	v34 =	vld [tilespmem:s28+$0xA810]  }
0x108: {  	v35 =	vld [tilespmem:s28+$0xA820]  }
0x109: {  	v36 =	vld [tilespmem:s28+$0xA830]  }
0x10a: {  	v37 =	vld [tilespmem:s28+$0xA840]  }
0x10b: {  	v38 =	vld [tilespmem:s28+$0xA850]  }
0x10c: {  	v39 =	vld [tilespmem:s28+$0xA860]  }
0x10d: {  	v40 =	vld [tilespmem:s28+$0xA870]  }
0x10e: {  	v41 =	vld [tilespmem:s28+$0xA880]  }
0x10f: {  	v42 =	vld [tilespmem:s28+$0xA890];
	s28 =	sadd.s32 @!p0 $0x78, s26;
	s29 =	simm.s32 @!p0 $0x28;
	s30 =	simm.s32 @!p0 $0xA780  }
0x110: {  	[tilespmem:s30], [sflag:$0x4] =	stream.indirect.gather @!p0 [hbm4b:s3+s29], $0x130, s28, s29, $0xb8;
	[tilespmem:$0x12C80] =	vst v63  }
0x111: {  	_ =	swait.ge [sflag:s21], $0x2F80  }
0x112: {  	[sflag:s21] =	ssyncset.done $0x0  }
0x113: {  	s31 =	simm.s32 $0x0;
	[sflag:s21] =	ssyncadd.s32 $0xFFFFD080  }
0x114: {  	v0 =	vadd.f32 v19, v0;
	v9 =	vadd.f32 v20, v9;
	v19 =	vld [tilespmem:s31+$0xD820]  }
0x115: {  	v1 =	vadd.f32 v21, v1;
	v10 =	vadd.f32 v22, v10;
	v20 =	vld [tilespmem:s31+$0xD700]  }
0x116: {  	v21 =	vadd.f32 v23, v2;
	v11 =	vadd.f32 v24, v11;
	v22 =	vld [tilespmem:s31+$0xD710]  }
0x117: {  	v23 =	vadd.f32 v25, v3;
	v12 =	vadd.f32 v26, v12;
	v48 =	vld [tilespmem:s31+$0xD720]  }
0x118: {  	v49 =	vadd.f32 v27, v4;
	v13 =	vadd.f32 v28, v13;
	v50 =	vld [tilespmem:s31+$0xD730]  }
0x119: {  	v51 =	vadd.f32 v29, v5;
	v14 =	vadd.f32 v30, v14;
	v52 =	vld [tilespmem:s31+$0xD740]  }
0x11a: {  	v6 =	vadd.f32 v31, v6;
	v53 =	vadd.f32 v32, v15;
	v54 =	vld [tilespmem:s31+$0xD750]  }
0x11b: {  	v7 =	vadd.f32 v33, v7;
	v55 =	vadd.f32 v34, v16;
	v56 =	vld [tilespmem:s31+$0xD760]  }
0x11c: {  	v8 =	vadd.f32 v35, v8;
	v57 =	vadd.f32 v36, v17;
	v58 =	vld [tilespmem:s31+$0xD770]  }
0x11d: {  	v59 =	vadd.f32 v37, v18;
	v5 =	vadd.f32 v38, v0;
	v60 =	vld [tilespmem:s31+$0xD780]  }
0x11e: {  	v4 =	vadd.f32 v39, v9;
	v3 =	vadd.f32 v40, v1;
	v61 =	vld [tilespmem:s31+$0xD790]  }
0x11f: {  	v2 =	vadd.f32 v41, v10;
	v62 =	vld [tilespmem:s31+$0xD7A0];
	v1 =	vadd.f32 v42, v21  }
0x120: {  	v63 =	vld [tilespmem:s31+$0xD7C0];
	v0 =	vadd.f32 v19, v11;
	v17 =	vadd.f32 v20, v23  }
0x121: {  	v23 =	vld [tilespmem:s31+$0xD7B0];
	v18 =	vadd.f32 v22, v12;
	v15 =	vadd.f32 v48, v49  }
0x122: {  	v16 =	vadd.f32 v50, v13;
	v13 =	vadd.f32 v52, v51;
	v19 =	vld [tilespmem:s31+$0xD7D0]  }
0x123: {  	v14 =	vadd.f32 v54, v14;
	v11 =	vadd.f32 v56, v6;
	v20 =	vld [tilespmem:s31+$0xD7E0]  }
0x124: {  	v21 =	vld [tilespmem:s31+$0xD7F0];
	v12 =	vadd.f32 v58, v53;
	v9 =	vadd.f32 v60, v7  }
0x125: {  	v10 =	vadd.f32 v61, v55;
	v8 =	vadd.f32 v62, v8;
	v22 =	vld [tilespmem:s31+$0xD800]  }
0x126: {  	s28 =	simm.s32 $0x130;
	s29 =	simm.s32 $0x980;
	v7 =	vadd.f32 v63, v59;
	v6 =	vadd.f32 v23, v57;
	v23 =	vld [tilespmem:s31+$0xD810]  }
.LBB2_11:
0x127: {  	p1 =	sne.s32 s29, $0xB940;
	v24 =	vld [tilespmem:s28+$0xD820];
	v5 =	vadd.f32 v19, v5  }
0x128: {  	v19 =	vld [tilespmem:s28+$0xD700];
	v4 =	vadd.f32 v20, v4  }
0x129: {  	v20 =	vld [tilespmem:s28+$0xD710];
	v3 =	vadd.f32 v21, v3  }
0x12a: {  	v21 =	vld [tilespmem:s28+$0xD720];
	v2 =	vadd.f32 v22, v2  }
0x12b: {  	v22 =	vld [tilespmem:s28+$0xD730];
	v1 =	vadd.f32 v23, v1  }
0x12c: {  	v23 =	vld [tilespmem:s28+$0xD740];
	v0 =	vadd.f32 v24, v0  }
0x12d: {  	v17 =	vadd.f32 v19, v17;
	v19 =	vld [tilespmem:s28+$0xD750]  }
0x12e: {  	v18 =	vadd.f32 v20, v18;
	v20 =	vld [tilespmem:s28+$0xD760]  }
0x12f: {  	v15 =	vadd.f32 v21, v15;
	v21 =	vld [tilespmem:s28+$0xD770]  }
0x130: {  	v16 =	vadd.f32 v22, v16;
	v22 =	vld [tilespmem:s28+$0xD780]  }
0x131: {  	v13 =	vadd.f32 v23, v13;
	v23 =	vld [tilespmem:s28+$0xD790]  }
0x132: {  	v14 =	vadd.f32 v19, v14;
	v24 =	vld [tilespmem:s28+$0xD7A0]  }
0x133: {  	v11 =	vadd.f32 v20, v11;
	v25 =	vld [tilespmem:s28+$0xD7B0]  }
0x134: {  	v12 =	vadd.f32 v21, v12;
	v26 =	vld [tilespmem:s28+$0xD7C0]  }
.Ltmp4:
0x135: {  	v9 =	vadd.f32 v22, v9;
	v19 =	vld [tilespmem:s28+$0xD7D0];
	(pc) =	sbr.rel @p1 .LBB2_11-.Ltmp4, $4  }
0x136: {  	v10 =	vadd.f32 v23, v10;
	v20 =	vld [tilespmem:s28+$0xD7E0]  }
0x137: {  	v8 =	vadd.f32 v24, v8;
	v21 =	vld [tilespmem:s28+$0xD7F0]  }
0x138: {  	v6 =	vadd.f32 v25, v6;
	v22 =	vld [tilespmem:s28+$0xD800]  }
0x139: {  	v7 =	vadd.f32 v26, v7;
	v23 =	vld [tilespmem:s28+$0xD810];
	s28 =	sshra.s32 s29, $0x2;
	s29 =	sadd.s32 $0x4C0, s29  }
0x13a: {  	v24 =	vld [tilespmem:s28+$0xD820]  }
0x13b: {  	v25 =	vld [tilespmem:s28+$0xD700]  }
0x13c: {  	v26 =	vld [tilespmem:s28+$0xD710]  }
0x13d: {  	v27 =	vld [tilespmem:s28+$0xD720]  }
0x13e: {  	v28 =	vld [tilespmem:s28+$0xD730]  }
0x13f: {  	v29 =	vld [tilespmem:s28+$0xD740]  }
0x140: {  	v30 =	vld [tilespmem:s28+$0xD750]  }
0x141: {  	v31 =	vld [tilespmem:s28+$0xD760]  }
0x142: {  	v32 =	vld [tilespmem:s28+$0xD770]  }
0x143: {  	v33 =	vld [tilespmem:s28+$0xD780]  }
0x144: {  	v34 =	vld [tilespmem:s28+$0xD790]  }
0x145: {  	v35 =	vld [tilespmem:s28+$0xD7A0]  }
0x146: {  	v36 =	vld [tilespmem:s28+$0xD7B0]  }
0x147: {  	v37 =	vld [tilespmem:s28+$0xD7C0]  }
0x148: {  	v38 =	vld [tilespmem:s28+$0xD7D0]  }
0x149: {  	v39 =	vld [tilespmem:s28+$0xD7E0]  }
0x14a: {  	v40 =	vld [tilespmem:s28+$0xD7F0]  }
0x14b: {  	v41 =	vld [tilespmem:s28+$0xD800];
	s26 =	sadd.s32 @!p0 $0xA0, s26  }
0x14c: {  	v42 =	vld [tilespmem:s28+$0xD810];
	s28 =	simm.s32 @!p0 $0x28;
	s29 =	simm.s32 @!p0 $0xD700;
	s24 =	smul.u32 $0x4C0, s24  }
0x14d: {  	[tilespmem:s29], [sflag:$0x5] =	stream.indirect.gather @!p0 [hbm4b:s3+s28], $0x130, s26, s28, $0xb8;
	v17 =	vadd.f32 v25, v17;
	[tilespmem:$0x12C80] =	vst v63  }
0x14e: {  	s24 =	sshra.s32 s24, $0x2;
	v18 =	vadd.f32 v26, v18  }
0x14f: {  	v15 =	vadd.f32 v27, v15;
	[tilespmem:s24+$0x10680] =	vst v17  }
0x150: {  	v16 =	vadd.f32 v28, v16;
	[tilespmem:s24+$0x10690] =	vst v18  }
0x151: {  	v13 =	vadd.f32 v29, v13;
	[tilespmem:s24+$0x106A0] =	vst v15  }
0x152: {  	v14 =	vadd.f32 v30, v14;
	[tilespmem:s24+$0x106B0] =	vst v16  }
0x153: {  	v11 =	vadd.f32 v31, v11;
	[tilespmem:s24+$0x106C0] =	vst v13  }
0x154: {  	v12 =	vadd.f32 v32, v12;
	[tilespmem:s24+$0x106D0] =	vst v14  }
0x155: {  	v9 =	vadd.f32 v33, v9;
	[tilespmem:s24+$0x106E0] =	vst v11  }
0x156: {  	v10 =	vadd.f32 v34, v10;
	[tilespmem:s24+$0x106F0] =	vst v12  }
0x157: {  	v8 =	vadd.f32 v35, v8;
	[tilespmem:s24+$0x10700] =	vst v9  }
0x158: {  	v5 =	vadd.f32 v19, v5;
	v6 =	vadd.f32 v36, v6;
	[tilespmem:s24+$0x10710] =	vst v10  }
0x159: {  	v4 =	vadd.f32 v20, v4;
	v7 =	vadd.f32 v37, v7;
	[tilespmem:s24+$0x10720] =	vst v8  }
0x15a: {  	v3 =	vadd.f32 v21, v3;
	v5 =	vadd.f32 v38, v5;
	[tilespmem:s24+$0x10730] =	vst v6  }
0x15b: {  	v2 =	vadd.f32 v22, v2;
	v4 =	vadd.f32 v39, v4;
	[tilespmem:s24+$0x10740] =	vst v7  }
0x15c: {  	p0 =	sne.s32 s25, $0x20;
	v3 =	vadd.f32 v40, v3;
	[tilespmem:s24+$0x10750] =	vst v5  }
.Ltmp5:
0x15d: {  	v1 =	vadd.f32 v23, v1;
	v2 =	vadd.f32 v41, v2;
	[tilespmem:s24+$0x10760] =	vst v4;
	(pc) =	sbr.rel @p0 .LBB2_2-.Ltmp5, $4  }
0x15e: {  	v0 =	vadd.f32 v24, v0;
	[tilespmem:s24+$0x10770] =	vst v3  }
0x15f: {  	v1 =	vadd.f32 v42, v1;
	[tilespmem:s24+$0x10780] =	vst v2  }
0x160: {  	[tilespmem:s24+$0x107A0] =	vst v0  }
0x161: {  	[tilespmem:s24+$0x10790] =	vst v1;
	s24 =	smov.u32 s25  }
0x162: {  	s23 =	sadd.s32 $0x1, s23  }
0x163: {  	p0 =	sne.s32 s23, s6  }
.Ltmp6:
0x164: {  	_ = 	snop;
	(pc) =	sbr.rel @p0 .LBB2_1-.Ltmp6, $4  }
0x165: {  	[hbm4b:s5+s2] =	stream.linear.scatter [tilespmem:s22], [sflag:$0x6], $0x2600, $0x38;
	[tilespmem:$0x12C80] =	vst v63  }
0x166: {  	_ =	swait.ge [sflag:s7], $0x2600  }
0x167: {  	[sflag:s7] =	ssyncset.done $0x0  }
0x168: {  	[sflag:s7] =	ssyncadd.s32 $0xFFFFDA00  }
0x169: {  	_ =	sfence.sel $0x180000  }
0x16a: {  	[bflag:$0x0] =	sbarrier.arrive $0xFFFF  }
0x16b: {  	p0 =	sne.s32 s0, $0x0;
	_ =	strace $0x90000047  }
0x16c: {  	s0 =	sadd.s32 @!p0 $0x100000, s1;
	[bflag:$0x2] =	sbarrier.arrive $0xFFFF  }
0x16d: {  	[sflag:s0] =	ssyncadd.tile.s32 @!p0 $0x1;
	_ =	shalt  }
.Lfunc_end2:
_tile_overlayer_lowered:
.L_overlay_start_2:
0x16e: {  	(tag) =	ssettag $0x2  }
0x16f: {  	s0 =	rddreg [dreg:$0x0];
	s2 =	stileid.u32  }
0x170: {  	s1 =	rddreg [dreg:$0x1];
	p0 =	sne.s32 s2, $0x0  }
0x171: {  	s3 =	rddreg [dreg:$0x2];
	[bflag:$0x3] =	sbarrier.arrive $0xFFFF;
	s2 =	simm.s32 @!p0 $0x1C06  }
0x172: {  	[timem:s3], [sflag:s2] =	dma.local @!p0 [hbm:s0], s1  }
0x173: {  	s0 =	simm.s32 @!p0 $0x6  }
0x174: {  	_ =	swait.ge @!p0 [sflag:s0], s1  }
0x175: {  	s1 =	ssub.s32 @!p0 $0x0, s1;
	[sflag:s0] =	ssyncset.done @!p0 $0x0  }
0x176: {  	[sflag:s0] =	ssyncadd.s32 @!p0 s1  }
0x177: {  	[bflag:$0x3] =	sbarrier.arrive $0xFFFF  }
0x178: {  	_ =	shalt  }

</sc_bundles>
